<compile_context>
chip_gen: v7x
topology: tpu7x:2x2x1
jax: 0.10.2.dev20260603
libtpu: 0.0.44.dev20260713+nightly
codegen_flags: <defaults>
</compile_context>

<pallas_src>
import functools

import jax
import jax.numpy as jnp
from jax import lax
from jax.experimental import pallas as pl
from jax.experimental.pallas import tpu as pltpu
from jax.experimental.pallas import tpu_sc as plsc

N_TOKENS = 16384
N_EXP = 16
_NC, _NS = 2, 16
_NW = _NC * _NS
_ROWS_PER_W = N_TOKENS // _NW
_CHUNK_ROWS = 128
_N_CHUNKS = _ROWS_PER_W // _CHUNK_ROWS

_mesh = plsc.VectorSubcoreMesh(core_axis_name="c", subcore_axis_name="s")


@functools.partial(
    pl.kernel,
    mesh=_mesh,
    compiler_params=pltpu.CompilerParams(needs_layout_passes=False),
    out_type=[
        jax.ShapeDtypeStruct((_NW, N_EXP), jnp.float32),
        jax.ShapeDtypeStruct((_NW, N_EXP), jnp.float32),
    ],
    scratch_types=[
        pltpu.VMEM((_CHUNK_ROWS, N_EXP), jnp.float32),
        pltpu.VMEM((_CHUNK_ROWS, N_EXP), jnp.float32),
        pltpu.VMEM((N_EXP,), jnp.float32),
        pltpu.VMEM((N_EXP,), jnp.float32),
        pltpu.SemaphoreType.DMA,
        pltpu.SemaphoreType.DMA,
    ],
)
def _sc_tally(logits_hbm, pacc_hbm, cacc_hbm, buf0, buf1, pacc, cacc,
              sem0, sem1):
    wid = lax.axis_index("s") * _NC + lax.axis_index("c")
    row0 = wid * _ROWS_PER_W
    bufs = (buf0, buf1)
    sems = (sem0, sem1)

    def chunk_src(k):
        return logits_hbm.at[pl.ds(row0 + k * _CHUNK_ROWS, _CHUNK_ROWS), :]

    copies = [pltpu.async_copy(chunk_src(k), bufs[k % 2], sems[k % 2])
              for k in range(2)]

    row_iota = lax.iota(jnp.int32, 16)
    one = jnp.ones((16,), jnp.float32)
    zf = jnp.zeros((16,), jnp.float32)

    carry = (zf, zf)
    for k in range(_N_CHUNKS):
        copies[k].wait()
        buf = bufs[k % 2]

        @plsc.parallel_loop(0, _CHUNK_ROWS, carry=carry, unroll=8)
        def body(b, c, buf=buf):
            acc, cnt = c
            x = buf[b]
            m = jnp.max(x)
            t = jnp.exp(x - m)
            s = jnp.sum(t)
            ff = plsc.all_reduce_ffs(x == m)
            acc = acc + t / s
            cnt = cnt + jnp.where(row_iota == ff, one, zf)
            return acc, cnt

        carry = body
        if k + 2 < _N_CHUNKS:
            copies.append(
                pltpu.async_copy(chunk_src(k + 2), bufs[k % 2], sems[k % 2]))

    pacc[...] = carry[0]
    cacc[...] = carry[1]
    pltpu.sync_copy(pacc, pacc_hbm.at[wid])
    pltpu.sync_copy(cacc, cacc_hbm.at[wid])


def _tc_finish(p_ref, c_ref, w_ref, o_ref):
    S = jnp.sum(p_ref[...], axis=0)
    C = jnp.sum(c_ref[...], axis=0)
    w = jnp.abs(w_ref[0, 0])
    pbar = S / jnp.float32(N_TOKENS)
    f = C / jnp.sum(C)
    o_ref[0, 0] = w * jnp.float32(N_EXP) * jnp.sum(pbar * f)


@jax.jit
def kernel(router_logits, wBAL):
    pacc, cacc = _sc_tally(router_logits)
    loss = pl.pallas_call(
        _tc_finish,
        out_shape=jax.ShapeDtypeStruct((1, 1), jnp.float32),
        in_specs=[
            pl.BlockSpec(memory_space=pltpu.VMEM),
            pl.BlockSpec(memory_space=pltpu.VMEM),
            pl.BlockSpec(memory_space=pltpu.SMEM),
        ],
        out_specs=pl.BlockSpec(memory_space=pltpu.SMEM),
    )(pacc, cacc, wBAL.reshape(1, 1))
    return loss[0, 0]

# --- scband reference (transcript-rebuilt; emitter-appended) ---
"""Pipeline reference for scband-load-balancing-loss-17334488007392 (READ-ONLY COPY).

The authoritative reference and input builder live on the scoring server;
editing this copy changes nothing except your own understanding.
"""

import jax, jax.numpy as jnp
import numpy as np

NUM_EXPERTS = 16
TOPK = 2

def setup_inputs(seed: int = 0) -> dict:
    key = jax.random.key(seed)
    router_logits = jax.random.normal(key, (16384, NUM_EXPERTS), dtype=jnp.float32)
    wBAL = jnp.asarray(0.01, dtype=jnp.float32)
    return {"router_logits": router_logits, "wBAL": wBAL}

def reference(router_logits, wBAL):
    num_experts = NUM_EXPERTS
    w = jnp.abs(wBAL)
    logits = router_logits.reshape(-1, num_experts)
    router_probs = jax.nn.softmax(logits, axis=-1)
    gate = jnp.argmax(router_probs, axis=-1)
    one_hot = jax.nn.one_hot(gate, num_experts, dtype=jnp.int32)
    num_tokens = jnp.sum(one_hot > 0, axis=0)
    # topk indices are computed in the torch module purely for a side-effect tally;
    # compute them here for faithfulness but they do not affect the returned loss
    _topk_vals, _topk_idx = jax.lax.top_k(router_probs, TOPK)
    p = jnp.mean(router_probs, axis=0)
    temp = num_tokens.astype(jnp.float32)
    f = temp / jnp.sum(temp, axis=0, keepdims=True)
    return w * num_experts * jnp.sum(p * f)

if __name__ == "__main__":
    import jax
    _d = setup_inputs()
    print(jax.jit(kernel)(*tuple(_d.values())))

</pallas_src>

<mosaic_0001>
#map = affine_map<(d0, d1) -> (0, 0)>
module attributes {stable_mosaic.version = 14 : i64} {
  func.func @_sc_tally(%arg0: i32, %arg1: i32, %arg2: memref<16384x16xf32, #tpu.memory_space<hbm>>, %arg3: memref<32x16xf32, #tpu.memory_space<hbm>>, %arg4: memref<32x16xf32, #tpu.memory_space<hbm>>, %arg5: memref<128x16xf32, #tpu.memory_space<vmem>>, %arg6: memref<128x16xf32, #tpu.memory_space<vmem>>, %arg7: memref<16xf32, #tpu.memory_space<vmem>>, %arg8: memref<16xf32, #tpu.memory_space<vmem>>, %arg9: memref<!tpu.dma_semaphore, #tpu.memory_space<semaphore_mem>>, %arg10: memref<!tpu.dma_semaphore, #tpu.memory_space<semaphore_mem>>) attributes {dimension_semantics = [#tpu.dimension_semantics<core_parallel>, #tpu.dimension_semantics<subcore_parallel>], iteration_bounds = array<i64: 2, 16>, scalar_prefetch = 0 : i64, scratch_operands = 6 : i64, tpu.core_type = #tpu.core_type<sc_vector_subcore>, window_params = [{transform_indices = #map}, {transform_indices = #map}, {transform_indices = #map}]} {
    %mul3A = arith.constant 2 : i32
    %mul3A_0 = arith.muli %arg1, %mul3A : i32
    %add3A = arith.addi %mul3A_0, %arg0 : i32
    %mul3A_1 = arith.constant 512 : i32
    %mul3A_2 = arith.muli %add3A, %mul3A_1 : i32
    %add3A_3 = arith.constant 0 : i32
    %add3A_4 = arith.addi %mul3A_2, %add3A_3 : i32
    %dma_start3A = arith.constant 0 : i32
    %dma_start3A_5 = tpu.memref_slice %arg2[%add3A_4, %dma_start3A] : memref<16384x16xf32, #tpu.memory_space<hbm>> -> memref<128x16xf32, #tpu.memory_space<hbm>>
    %dma_start3A_6 = arith.constant 0 : i32
    %dma_start3A_7 = tpu.memref_slice %arg2[%add3A_4, %dma_start3A_6] : memref<16384x16xf32, #tpu.memory_space<hbm>> -> memref<128x16xf32, #tpu.memory_space<hbm>>
    tpu.enqueue_dma source(%dma_start3A_7 : memref<128x16xf32, #tpu.memory_space<hbm>>) target(%arg5 : memref<128x16xf32, #tpu.memory_space<vmem>>) target_semaphore(%arg9 : memref<!tpu.dma_semaphore, #tpu.memory_space<semaphore_mem>>)
    %add3A_8 = arith.constant 128 : i32
    %add3A_9 = arith.addi %mul3A_2, %add3A_8 : i32
    %dma_start3A_10 = arith.constant 0 : i32
    %dma_start3A_11 = tpu.memref_slice %arg2[%add3A_9, %dma_start3A_10] : memref<16384x16xf32, #tpu.memory_space<hbm>> -> memref<128x16xf32, #tpu.memory_space<hbm>>
    %dma_start3A_12 = arith.constant 0 : i32
    %dma_start3A_13 = tpu.memref_slice %arg2[%add3A_9, %dma_start3A_12] : memref<16384x16xf32, #tpu.memory_space<hbm>> -> memref<128x16xf32, #tpu.memory_space<hbm>>
    tpu.enqueue_dma source(%dma_start3A_13 : memref<128x16xf32, #tpu.memory_space<hbm>>) target(%arg6 : memref<128x16xf32, #tpu.memory_space<vmem>>) target_semaphore(%arg10 : memref<!tpu.dma_semaphore, #tpu.memory_space<semaphore_mem>>)
    %iota3A = tpu.iota {dimensions = array<i32: 0>} : vector<16xi32>
    %broadcast_in_dim3A = arith.constant 1.000000e+00 : f32
    %broadcast_in_dim3A_14 = vector.broadcast %broadcast_in_dim3A : f32 to vector<16xf32>
    %broadcast_in_dim3A_15 = arith.constant 0.000000e+00 : f32
    %broadcast_in_dim3A_16 = vector.broadcast %broadcast_in_dim3A_15 : f32 to vector<16xf32>
    %dma_wait3A = arith.constant 0 : i32
    %dma_wait3A_17 = tpu.memref_slice %arg2[%add3A_4, %dma_wait3A] : memref<16384x16xf32, #tpu.memory_space<hbm>> -> memref<128x16xf32, #tpu.memory_space<hbm>>
    %dma_wait3A_18 = arith.constant 0 : i32
    %dma_wait3A_19 = tpu.memref_slice %arg2[%add3A_4, %dma_wait3A_18] : memref<16384x16xf32, #tpu.memory_space<hbm>> -> memref<128x16xf32, #tpu.memory_space<hbm>>
    tpu.wait_dma2 semaphore(%arg9 : memref<!tpu.dma_semaphore, #tpu.memory_space<semaphore_mem>>) src(%dma_wait3A_19 : memref<128x16xf32, #tpu.memory_space<hbm>>) dst(%arg5 : memref<128x16xf32, #tpu.memory_space<vmem>>)
    %parallel_loop3A = arith.constant 0 : i32
    %parallel_loop3A_20 = arith.constant 128 : i32
    %parallel_loop3A_21 = arith.constant 1 : i32
    %parallel_loop3A_22:2 = scf.for %parallel_loop3A_62 = %parallel_loop3A to %parallel_loop3A_20 step %parallel_loop3A_21 iter_args(%parallel_loop3A_63 = %broadcast_in_dim3A_16, %parallel_loop3A_64 = %broadcast_in_dim3A_16) -> (vector<16xf32>, vector<16xf32>)  : i32 {
      %parallel_loop3A_65 = arith.index_cast %parallel_loop3A_62 : i32 to index
      %parallel_loop3A_66 = arith.constant 0 : index
      %parallel_loop3A_67 = tpu.vector_load %arg5[%parallel_loop3A_65, %parallel_loop3A_66] {strides = array<i32>} : memref<128x16xf32, #tpu.memory_space<vmem>>, vector<16xf32>,
      %parallel_loop3A_68 = arith.constant true
      %parallel_loop3A_69 = vector.broadcast %parallel_loop3A_68 : i1 to vector<16xi1>
      %parallel_loop3A_70 = tpu.scan <max>, %parallel_loop3A_67 masked %parallel_loop3A_69 : vector<16xf32>, vector<16xi1> -> vector<16xf32>
      %parallel_loop3A_71 = vector.extract %parallel_loop3A_70[15] : f32 from vector<16xf32>
      %parallel_loop3A_72 = vector.broadcast %parallel_loop3A_71 : f32 to vector<16xf32>
      %parallel_loop3A_73 = arith.subf %parallel_loop3A_67, %parallel_loop3A_72 : vector<16xf32>
      %parallel_loop3A_74 = math.exp %parallel_loop3A_73 : vector<16xf32>
      %parallel_loop3A_75 = arith.constant true
      %parallel_loop3A_76 = vector.broadcast %parallel_loop3A_75 : i1 to vector<16xi1>
      %parallel_loop3A_77 = tpu.scan <sum>, %parallel_loop3A_74 masked %parallel_loop3A_76 : vector<16xf32>, vector<16xi1> -> vector<16xf32>
      %parallel_loop3A_78 = vector.extract %parallel_loop3A_77[15] : f32 from vector<16xf32>
      %parallel_loop3A_79 = vector.broadcast %parallel_loop3A_71 : f32 to vector<16xf32>
      %parallel_loop3A_80 = arith.cmpf oeq, %parallel_loop3A_67, %parallel_loop3A_79 : vector<16xf32>
      %parallel_loop3A_81 = tpu.all_reduce %parallel_loop3A_80 {dim = 0 : i64, kind = #tpu.reduction_kind<find_first_set>} : vector<16xi1> -> vector<16xi32>
      %parallel_loop3A_82 = vector.broadcast %parallel_loop3A_78 : f32 to vector<16xf32>
      %parallel_loop3A_83 = arith.divf %parallel_loop3A_74, %parallel_loop3A_82 : vector<16xf32>
      %parallel_loop3A_84 = arith.addf %parallel_loop3A_63, %parallel_loop3A_83 : vector<16xf32>
      %parallel_loop3A_85 = arith.cmpi eq, %iota3A, %parallel_loop3A_81 : vector<16xi32>
      %parallel_loop3A_86 = arith.select %parallel_loop3A_85, %broadcast_in_dim3A_14, %broadcast_in_dim3A_16 : vector<16xi1>, vector<16xf32>
      %parallel_loop3A_87 = arith.addf %parallel_loop3A_64, %parallel_loop3A_86 : vector<16xf32>
      scf.yield %parallel_loop3A_84, %parallel_loop3A_87 : vector<16xf32>, vector<16xf32>
    } {sc.loop_unroll_factor = 8 : i64, sc.parallel_access}
    %add3A_23 = arith.constant 256 : i32
    %add3A_24 = arith.addi %mul3A_2, %add3A_23 : i32
    %dma_start3A_25 = arith.constant 0 : i32
    %dma_start3A_26 = tpu.memref_slice %arg2[%add3A_24, %dma_start3A_25] : memref<16384x16xf32, #tpu.memory_space<hbm>> -> memref<128x16xf32, #tpu.memory_space<hbm>>
    %dma_start3A_27 = arith.constant 0 : i32
    %dma_start3A_28 = tpu.memref_slice %arg2[%add3A_24, %dma_start3A_27] : memref<16384x16xf32, #tpu.memory_space<hbm>> -> memref<128x16xf32, #tpu.memory_space<hbm>>
    tpu.enqueue_dma source(%dma_start3A_28 : memref<128x16xf32, #tpu.memory_space<hbm>>) target(%arg5 : memref<128x16xf32, #tpu.memory_space<vmem>>) target_semaphore(%arg9 : memref<!tpu.dma_semaphore, #tpu.memory_space<semaphore_mem>>)
    %dma_wait3A_29 = arith.constant 0 : i32
    %dma_wait3A_30 = tpu.memref_slice %arg2[%add3A_9, %dma_wait3A_29] : memref<16384x16xf32, #tpu.memory_space<hbm>> -> memref<128x16xf32, #tpu.memory_space<hbm>>
    %dma_wait3A_31 = arith.constant 0 : i32
    %dma_wait3A_32 = tpu.memref_slice %arg2[%add3A_9, %dma_wait3A_31] : memref<16384x16xf32, #tpu.memory_space<hbm>> -> memref<128x16xf32, #tpu.memory_space<hbm>>
    tpu.wait_dma2 semaphore(%arg10 : memref<!tpu.dma_semaphore, #tpu.memory_space<semaphore_mem>>) src(%dma_wait3A_32 : memref<128x16xf32, #tpu.memory_space<hbm>>) dst(%arg6 : memref<128x16xf32, #tpu.memory_space<vmem>>)
    %parallel_loop3A_33 = arith.constant 0 : i32
    %parallel_loop3A_34 = arith.constant 128 : i32
    %parallel_loop3A_35 = arith.constant 1 : i32
    %parallel_loop3A_36:2 = scf.for %parallel_loop3A_62 = %parallel_loop3A_33 to %parallel_loop3A_34 step %parallel_loop3A_35 iter_args(%parallel_loop3A_63 = %parallel_loop3A_22#0, %parallel_loop3A_64 = %parallel_loop3A_22#1) -> (vector<16xf32>, vector<16xf32>)  : i32 {
      %parallel_loop3A_65 = arith.index_cast %parallel_loop3A_62 : i32 to index
      %parallel_loop3A_66 = arith.constant 0 : index
      %parallel_loop3A_67 = tpu.vector_load %arg6[%parallel_loop3A_65, %parallel_loop3A_66] {strides = array<i32>} : memref<128x16xf32, #tpu.memory_space<vmem>>, vector<16xf32>,
      %parallel_loop3A_68 = arith.constant true
      %parallel_loop3A_69 = vector.broadcast %parallel_loop3A_68 : i1 to vector<16xi1>
      %parallel_loop3A_70 = tpu.scan <max>, %parallel_loop3A_67 masked %parallel_loop3A_69 : vector<16xf32>, vector<16xi1> -> vector<16xf32>
      %parallel_loop3A_71 = vector.extract %parallel_loop3A_70[15] : f32 from vector<16xf32>
      %parallel_loop3A_72 = vector.broadcast %parallel_loop3A_71 : f32 to vector<16xf32>
      %parallel_loop3A_73 = arith.subf %parallel_loop3A_67, %parallel_loop3A_72 : vector<16xf32>
      %parallel_loop3A_74 = math.exp %parallel_loop3A_73 : vector<16xf32>
      %parallel_loop3A_75 = arith.constant true
      %parallel_loop3A_76 = vector.broadcast %parallel_loop3A_75 : i1 to vector<16xi1>
      %parallel_loop3A_77 = tpu.scan <sum>, %parallel_loop3A_74 masked %parallel_loop3A_76 : vector<16xf32>, vector<16xi1> -> vector<16xf32>
      %parallel_loop3A_78 = vector.extract %parallel_loop3A_77[15] : f32 from vector<16xf32>
      %parallel_loop3A_79 = vector.broadcast %parallel_loop3A_71 : f32 to vector<16xf32>
      %parallel_loop3A_80 = arith.cmpf oeq, %parallel_loop3A_67, %parallel_loop3A_79 : vector<16xf32>
      %parallel_loop3A_81 = tpu.all_reduce %parallel_loop3A_80 {dim = 0 : i64, kind = #tpu.reduction_kind<find_first_set>} : vector<16xi1> -> vector<16xi32>
      %parallel_loop3A_82 = vector.broadcast %parallel_loop3A_78 : f32 to vector<16xf32>
      %parallel_loop3A_83 = arith.divf %parallel_loop3A_74, %parallel_loop3A_82 : vector<16xf32>
      %parallel_loop3A_84 = arith.addf %parallel_loop3A_63, %parallel_loop3A_83 : vector<16xf32>
      %parallel_loop3A_85 = arith.cmpi eq, %iota3A, %parallel_loop3A_81 : vector<16xi32>
      %parallel_loop3A_86 = arith.select %parallel_loop3A_85, %broadcast_in_dim3A_14, %broadcast_in_dim3A_16 : vector<16xi1>, vector<16xf32>
      %parallel_loop3A_87 = arith.addf %parallel_loop3A_64, %parallel_loop3A_86 : vector<16xf32>
      scf.yield %parallel_loop3A_84, %parallel_loop3A_87 : vector<16xf32>, vector<16xf32>
    } {sc.loop_unroll_factor = 8 : i64, sc.parallel_access}
    %add3A_37 = arith.constant 384 : i32
    %add3A_38 = arith.addi %mul3A_2, %add3A_37 : i32
    %dma_start3A_39 = arith.constant 0 : i32
    %dma_start3A_40 = tpu.memref_slice %arg2[%add3A_38, %dma_start3A_39] : memref<16384x16xf32, #tpu.memory_space<hbm>> -> memref<128x16xf32, #tpu.memory_space<hbm>>
    %dma_start3A_41 = arith.constant 0 : i32
    %dma_start3A_42 = tpu.memref_slice %arg2[%add3A_38, %dma_start3A_41] : memref<16384x16xf32, #tpu.memory_space<hbm>> -> memref<128x16xf32, #tpu.memory_space<hbm>>
    tpu.enqueue_dma source(%dma_start3A_42 : memref<128x16xf32, #tpu.memory_space<hbm>>) target(%arg6 : memref<128x16xf32, #tpu.memory_space<vmem>>) target_semaphore(%arg10 : memref<!tpu.dma_semaphore, #tpu.memory_space<semaphore_mem>>)
    %dma_wait3A_43 = arith.constant 0 : i32
    %dma_wait3A_44 = tpu.memref_slice %arg2[%add3A_24, %dma_wait3A_43] : memref<16384x16xf32, #tpu.memory_space<hbm>> -> memref<128x16xf32, #tpu.memory_space<hbm>>
    %dma_wait3A_45 = arith.constant 0 : i32
    %dma_wait3A_46 = tpu.memref_slice %arg2[%add3A_24, %dma_wait3A_45] : memref<16384x16xf32, #tpu.memory_space<hbm>> -> memref<128x16xf32, #tpu.memory_space<hbm>>
    tpu.wait_dma2 semaphore(%arg9 : memref<!tpu.dma_semaphore, #tpu.memory_space<semaphore_mem>>) src(%dma_wait3A_46 : memref<128x16xf32, #tpu.memory_space<hbm>>) dst(%arg5 : memref<128x16xf32, #tpu.memory_space<vmem>>)
    %parallel_loop3A_47 = arith.constant 0 : i32
    %parallel_loop3A_48 = arith.constant 128 : i32
    %parallel_loop3A_49 = arith.constant 1 : i32
    %parallel_loop3A_50:2 = scf.for %parallel_loop3A_62 = %parallel_loop3A_47 to %parallel_loop3A_48 step %parallel_loop3A_49 iter_args(%parallel_loop3A_63 = %parallel_loop3A_36#0, %parallel_loop3A_64 = %parallel_loop3A_36#1) -> (vector<16xf32>, vector<16xf32>)  : i32 {
      %parallel_loop3A_65 = arith.index_cast %parallel_loop3A_62 : i32 to index
      %parallel_loop3A_66 = arith.constant 0 : index
      %parallel_loop3A_67 = tpu.vector_load %arg5[%parallel_loop3A_65, %parallel_loop3A_66] {strides = array<i32>} : memref<128x16xf32, #tpu.memory_space<vmem>>, vector<16xf32>,
      %parallel_loop3A_68 = arith.constant true
      %parallel_loop3A_69 = vector.broadcast %parallel_loop3A_68 : i1 to vector<16xi1>
      %parallel_loop3A_70 = tpu.scan <max>, %parallel_loop3A_67 masked %parallel_loop3A_69 : vector<16xf32>, vector<16xi1> -> vector<16xf32>
      %parallel_loop3A_71 = vector.extract %parallel_loop3A_70[15] : f32 from vector<16xf32>
      %parallel_loop3A_72 = vector.broadcast %parallel_loop3A_71 : f32 to vector<16xf32>
      %parallel_loop3A_73 = arith.subf %parallel_loop3A_67, %parallel_loop3A_72 : vector<16xf32>
      %parallel_loop3A_74 = math.exp %parallel_loop3A_73 : vector<16xf32>
      %parallel_loop3A_75 = arith.constant true
      %parallel_loop3A_76 = vector.broadcast %parallel_loop3A_75 : i1 to vector<16xi1>
      %parallel_loop3A_77 = tpu.scan <sum>, %parallel_loop3A_74 masked %parallel_loop3A_76 : vector<16xf32>, vector<16xi1> -> vector<16xf32>
      %parallel_loop3A_78 = vector.extract %parallel_loop3A_77[15] : f32 from vector<16xf32>
      %parallel_loop3A_79 = vector.broadcast %parallel_loop3A_71 : f32 to vector<16xf32>
      %parallel_loop3A_80 = arith.cmpf oeq, %parallel_loop3A_67, %parallel_loop3A_79 : vector<16xf32>
      %parallel_loop3A_81 = tpu.all_reduce %parallel_loop3A_80 {dim = 0 : i64, kind = #tpu.reduction_kind<find_first_set>} : vector<16xi1> -> vector<16xi32>
      %parallel_loop3A_82 = vector.broadcast %parallel_loop3A_78 : f32 to vector<16xf32>
      %parallel_loop3A_83 = arith.divf %parallel_loop3A_74, %parallel_loop3A_82 : vector<16xf32>
      %parallel_loop3A_84 = arith.addf %parallel_loop3A_63, %parallel_loop3A_83 : vector<16xf32>
      %parallel_loop3A_85 = arith.cmpi eq, %iota3A, %parallel_loop3A_81 : vector<16xi32>
      %parallel_loop3A_86 = arith.select %parallel_loop3A_85, %broadcast_in_dim3A_14, %broadcast_in_dim3A_16 : vector<16xi1>, vector<16xf32>
      %parallel_loop3A_87 = arith.addf %parallel_loop3A_64, %parallel_loop3A_86 : vector<16xf32>
      scf.yield %parallel_loop3A_84, %parallel_loop3A_87 : vector<16xf32>, vector<16xf32>
    } {sc.loop_unroll_factor = 8 : i64, sc.parallel_access}
    %dma_wait3A_51 = arith.constant 0 : i32
    %dma_wait3A_52 = tpu.memref_slice %arg2[%add3A_38, %dma_wait3A_51] : memref<16384x16xf32, #tpu.memory_space<hbm>> -> memref<128x16xf32, #tpu.memory_space<hbm>>
    %dma_wait3A_53 = arith.constant 0 : i32
    %dma_wait3A_54 = tpu.memref_slice %arg2[%add3A_38, %dma_wait3A_53] : memref<16384x16xf32, #tpu.memory_space<hbm>> -> memref<128x16xf32, #tpu.memory_space<hbm>>
    tpu.wait_dma2 semaphore(%arg10 : memref<!tpu.dma_semaphore, #tpu.memory_space<semaphore_mem>>) src(%dma_wait3A_54 : memref<128x16xf32, #tpu.memory_space<hbm>>) dst(%arg6 : memref<128x16xf32, #tpu.memory_space<vmem>>)
    %parallel_loop3A_55 = arith.constant 0 : i32
    %parallel_loop3A_56 = arith.constant 128 : i32
    %parallel_loop3A_57 = arith.constant 1 : i32
    %parallel_loop3A_58:2 = scf.for %parallel_loop3A_62 = %parallel_loop3A_55 to %parallel_loop3A_56 step %parallel_loop3A_57 iter_args(%parallel_loop3A_63 = %parallel_loop3A_50#0, %parallel_loop3A_64 = %parallel_loop3A_50#1) -> (vector<16xf32>, vector<16xf32>)  : i32 {
      %parallel_loop3A_65 = arith.index_cast %parallel_loop3A_62 : i32 to index
      %parallel_loop3A_66 = arith.constant 0 : index
      %parallel_loop3A_67 = tpu.vector_load %arg6[%parallel_loop3A_65, %parallel_loop3A_66] {strides = array<i32>} : memref<128x16xf32, #tpu.memory_space<vmem>>, vector<16xf32>,
      %parallel_loop3A_68 = arith.constant true
      %parallel_loop3A_69 = vector.broadcast %parallel_loop3A_68 : i1 to vector<16xi1>
      %parallel_loop3A_70 = tpu.scan <max>, %parallel_loop3A_67 masked %parallel_loop3A_69 : vector<16xf32>, vector<16xi1> -> vector<16xf32>
      %parallel_loop3A_71 = vector.extract %parallel_loop3A_70[15] : f32 from vector<16xf32>
      %parallel_loop3A_72 = vector.broadcast %parallel_loop3A_71 : f32 to vector<16xf32>
      %parallel_loop3A_73 = arith.subf %parallel_loop3A_67, %parallel_loop3A_72 : vector<16xf32>
      %parallel_loop3A_74 = math.exp %parallel_loop3A_73 : vector<16xf32>
      %parallel_loop3A_75 = arith.constant true
      %parallel_loop3A_76 = vector.broadcast %parallel_loop3A_75 : i1 to vector<16xi1>
      %parallel_loop3A_77 = tpu.scan <sum>, %parallel_loop3A_74 masked %parallel_loop3A_76 : vector<16xf32>, vector<16xi1> -> vector<16xf32>
      %parallel_loop3A_78 = vector.extract %parallel_loop3A_77[15] : f32 from vector<16xf32>
      %parallel_loop3A_79 = vector.broadcast %parallel_loop3A_71 : f32 to vector<16xf32>
      %parallel_loop3A_80 = arith.cmpf oeq, %parallel_loop3A_67, %parallel_loop3A_79 : vector<16xf32>
      %parallel_loop3A_81 = tpu.all_reduce %parallel_loop3A_80 {dim = 0 : i64, kind = #tpu.reduction_kind<find_first_set>} : vector<16xi1> -> vector<16xi32>
      %parallel_loop3A_82 = vector.broadcast %parallel_loop3A_78 : f32 to vector<16xf32>
      %parallel_loop3A_83 = arith.divf %parallel_loop3A_74, %parallel_loop3A_82 : vector<16xf32>
      %parallel_loop3A_84 = arith.addf %parallel_loop3A_63, %parallel_loop3A_83 : vector<16xf32>
      %parallel_loop3A_85 = arith.cmpi eq, %iota3A, %parallel_loop3A_81 : vector<16xi32>
      %parallel_loop3A_86 = arith.select %parallel_loop3A_85, %broadcast_in_dim3A_14, %broadcast_in_dim3A_16 : vector<16xi1>, vector<16xf32>
      %parallel_loop3A_87 = arith.addf %parallel_loop3A_64, %parallel_loop3A_86 : vector<16xf32>
      scf.yield %parallel_loop3A_84, %parallel_loop3A_87 : vector<16xf32>, vector<16xf32>
    } {sc.loop_unroll_factor = 8 : i64, sc.parallel_access}
    %swap3A = arith.constant 0 : index
    %swap3A_59 = tpu.vector_load %arg7[%swap3A] {strides = array<i32>} : memref<16xf32, #tpu.memory_space<vmem>>, vector<16xf32>,
    tpu.vector_store %arg7[%swap3A], %parallel_loop3A_58#0 {strides = array<i32>} : memref<16xf32, #tpu.memory_space<vmem>>, vector<16xf32>,
    %swap3A_60 = arith.constant 0 : index
    %swap3A_61 = tpu.vector_load %arg8[%swap3A_60] {strides = array<i32>} : memref<16xf32, #tpu.memory_space<vmem>>, vector<16xf32>,
    tpu.vector_store %arg8[%swap3A_60], %parallel_loop3A_58#1 {strides = array<i32>} : memref<16xf32, #tpu.memory_space<vmem>>, vector<16xf32>,
    "tpu.region"() ({
      %run_scoped3A = tpu.sem_alloc : memref<!tpu.dma_semaphore, #tpu.memory_space<semaphore_mem>>
      %dma_start3A_62 = arith.constant 0 : i32
      %dma_start3A_63 = tpu.memref_slice %arg3[%add3A, %dma_start3A_62] : memref<32x16xf32, #tpu.memory_space<hbm>> -> memref<1x16xf32, #tpu.memory_space<hbm>>
      %dma_start3A_64 = tpu.memref_squeeze %dma_start3A_63 : memref<1x16xf32, #tpu.memory_space<hbm>> -> memref<16xf32, #tpu.memory_space<hbm>>
      %dma_start3A_65 = arith.constant 0 : i32
      %dma_start3A_66 = tpu.memref_slice %arg3[%add3A, %dma_start3A_65] : memref<32x16xf32, #tpu.memory_space<hbm>> -> memref<1x16xf32, #tpu.memory_space<hbm>>
      %dma_start3A_67 = tpu.memref_squeeze %dma_start3A_66 : memref<1x16xf32, #tpu.memory_space<hbm>> -> memref<16xf32, #tpu.memory_space<hbm>>
      tpu.enqueue_dma source(%arg7 : memref<16xf32, #tpu.memory_space<vmem>>) target(%dma_start3A_67 : memref<16xf32, #tpu.memory_space<hbm>>) target_semaphore(%run_scoped3A : memref<!tpu.dma_semaphore, #tpu.memory_space<semaphore_mem>>)
      %dma_wait3A_68 = arith.constant 0 : i32
      %dma_wait3A_69 = tpu.memref_slice %arg3[%add3A, %dma_wait3A_68] : memref<32x16xf32, #tpu.memory_space<hbm>> -> memref<1x16xf32, #tpu.memory_space<hbm>>
      %dma_wait3A_70 = tpu.memref_squeeze %dma_wait3A_69 : memref<1x16xf32, #tpu.memory_space<hbm>> -> memref<16xf32, #tpu.memory_space<hbm>>
      %dma_wait3A_71 = arith.constant 0 : i32
      %dma_wait3A_72 = tpu.memref_slice %arg3[%add3A, %dma_wait3A_71] : memref<32x16xf32, #tpu.memory_space<hbm>> -> memref<1x16xf32, #tpu.memory_space<hbm>>
      %dma_wait3A_73 = tpu.memref_squeeze %dma_wait3A_72 : memref<1x16xf32, #tpu.memory_space<hbm>> -> memref<16xf32, #tpu.memory_space<hbm>>
      tpu.wait_dma2 semaphore(%run_scoped3A : memref<!tpu.dma_semaphore, #tpu.memory_space<semaphore_mem>>) src(%arg7 : memref<16xf32, #tpu.memory_space<vmem>>) dst(%dma_wait3A_73 : memref<16xf32, #tpu.memory_space<hbm>>)
      tpu.yield
    }) : () -> ()
    "tpu.region"() ({
      %run_scoped3A = tpu.sem_alloc : memref<!tpu.dma_semaphore, #tpu.memory_space<semaphore_mem>>
      %dma_start3A_62 = arith.constant 0 : i32
      %dma_start3A_63 = tpu.memref_slice %arg4[%add3A, %dma_start3A_62] : memref<32x16xf32, #tpu.memory_space<hbm>> -> memref<1x16xf32, #tpu.memory_space<hbm>>
      %dma_start3A_64 = tpu.memref_squeeze %dma_start3A_63 : memref<1x16xf32, #tpu.memory_space<hbm>> -> memref<16xf32, #tpu.memory_space<hbm>>
      %dma_start3A_65 = arith.constant 0 : i32
      %dma_start3A_66 = tpu.memref_slice %arg4[%add3A, %dma_start3A_65] : memref<32x16xf32, #tpu.memory_space<hbm>> -> memref<1x16xf32, #tpu.memory_space<hbm>>
      %dma_start3A_67 = tpu.memref_squeeze %dma_start3A_66 : memref<1x16xf32, #tpu.memory_space<hbm>> -> memref<16xf32, #tpu.memory_space<hbm>>
      tpu.enqueue_dma source(%arg8 : memref<16xf32, #tpu.memory_space<vmem>>) target(%dma_start3A_67 : memref<16xf32, #tpu.memory_space<hbm>>) target_semaphore(%run_scoped3A : memref<!tpu.dma_semaphore, #tpu.memory_space<semaphore_mem>>)
      %dma_wait3A_68 = arith.constant 0 : i32
      %dma_wait3A_69 = tpu.memref_slice %arg4[%add3A, %dma_wait3A_68] : memref<32x16xf32, #tpu.memory_space<hbm>> -> memref<1x16xf32, #tpu.memory_space<hbm>>
      %dma_wait3A_70 = tpu.memref_squeeze %dma_wait3A_69 : memref<1x16xf32, #tpu.memory_space<hbm>> -> memref<16xf32, #tpu.memory_space<hbm>>
      %dma_wait3A_71 = arith.constant 0 : i32
      %dma_wait3A_72 = tpu.memref_slice %arg4[%add3A, %dma_wait3A_71] : memref<32x16xf32, #tpu.memory_space<hbm>> -> memref<1x16xf32, #tpu.memory_space<hbm>>
      %dma_wait3A_73 = tpu.memref_squeeze %dma_wait3A_72 : memref<1x16xf32, #tpu.memory_space<hbm>> -> memref<16xf32, #tpu.memory_space<hbm>>
      tpu.wait_dma2 semaphore(%run_scoped3A : memref<!tpu.dma_semaphore, #tpu.memory_space<semaphore_mem>>) src(%arg8 : memref<16xf32, #tpu.memory_space<vmem>>) dst(%dma_wait3A_73 : memref<16xf32, #tpu.memory_space<hbm>>)
      tpu.yield
    }) : () -> ()
    return
  }
}

module attributes {stable_mosaic.version = 14 : i64} {
  func.func @_tc_finish(%arg0: memref<32x16xf32, #tpu.memory_space<vmem>>, %arg1: memref<32x16xf32, #tpu.memory_space<vmem>>, %arg2: memref<1x1xf32, #tpu.memory_space<smem>>, %arg3: memref<1x1xf32, #tpu.memory_space<smem>>) attributes {dimension_semantics = [], scalar_prefetch = 0 : i64, scratch_operands = 0 : i64, tpu.core_type = #tpu.core_type<tc>} {
    %get3A = arith.constant 0 : index
    %get3A_0 = arith.constant 0 : index
    %get3A_1 = vector.load %arg0[%get3A, %get3A_0] : memref<32x16xf32, #tpu.memory_space<vmem>>, vector<32x16xf32>
    %reduce_sum3A = arith.constant dense<0.000000e+00> : vector<16xf32>
    %reduce_sum3A_2 = vector.multi_reduction <add>, %get3A_1, %reduce_sum3A [0] : vector<32x16xf32> to vector<16xf32>
    %get3A_3 = arith.constant 0 : index
    %get3A_4 = arith.constant 0 : index
    %get3A_5 = vector.load %arg1[%get3A_3, %get3A_4] : memref<32x16xf32, #tpu.memory_space<vmem>>, vector<32x16xf32>
    %reduce_sum3A_6 = arith.constant dense<0.000000e+00> : vector<16xf32>
    %reduce_sum3A_7 = vector.multi_reduction <add>, %get3A_5, %reduce_sum3A_6 [0] : vector<32x16xf32> to vector<16xf32>
    %get3A_8 = arith.constant 0 : index
    %get3A_9 = arith.constant 0 : index
    %get3A_10 = memref.load %arg2[%get3A_8, %get3A_9] : memref<1x1xf32, #tpu.memory_space<smem>>
    %abs3A = math.absf %get3A_10 : f32
    %div3A = arith.constant 1.638400e+04 : f32
    %div3A_11 = vector.broadcast %div3A : f32 to vector<16xf32>
    %div3A_12 = arith.divf %reduce_sum3A_2, %div3A_11 : vector<16xf32>
    %reduce_sum3A_13 = vector.shape_cast %reduce_sum3A_7 : vector<16xf32> to vector<1x16xf32>
    %reduce_sum3A_14 = arith.constant dense<0.000000e+00> : vector<1xf32>
    %reduce_sum3A_15 = vector.multi_reduction <add>, %reduce_sum3A_13, %reduce_sum3A_14 [1] : vector<1x16xf32> to vector<1xf32>
    %reduce_sum3A_16 = vector.shape_cast %reduce_sum3A_15 : vector<1xf32> to vector<1x1xf32>
    %reduce_sum3A_17 = vector.extract %reduce_sum3A_16[0, 0] : f32 from vector<1x1xf32>
    %div3A_18 = vector.broadcast %reduce_sum3A_17 : f32 to vector<16xf32>
    %div3A_19 = arith.divf %reduce_sum3A_7, %div3A_18 : vector<16xf32>
    %mul3A = arith.constant 1.600000e+01 : f32
    %mul3A_20 = arith.mulf %abs3A, %mul3A : f32
    %mul3A_21 = arith.mulf %div3A_12, %div3A_19 : vector<16xf32>
    %reduce_sum3A_22 = vector.shape_cast %mul3A_21 : vector<16xf32> to vector<1x16xf32>
    %reduce_sum3A_23 = arith.constant dense<0.000000e+00> : vector<1xf32>
    %reduce_sum3A_24 = vector.multi_reduction <add>, %reduce_sum3A_22, %reduce_sum3A_23 [1] : vector<1x16xf32> to vector<1xf32>
    %reduce_sum3A_25 = vector.shape_cast %reduce_sum3A_24 : vector<1xf32> to vector<1x1xf32>
    %reduce_sum3A_26 = vector.extract %reduce_sum3A_25[0, 0] : f32 from vector<1x1xf32>
    %mul3A_27 = arith.mulf %mul3A_20, %reduce_sum3A_26 : f32
    %swap3A = arith.constant 0 : index
    %swap3A_28 = arith.constant 0 : index
    %swap3A_29 = memref.load %arg3[%swap3A, %swap3A_28] : memref<1x1xf32, #tpu.memory_space<smem>>
    memref.store %mul3A_27, %arg3[%swap3A, %swap3A_28] : memref<1x1xf32, #tpu.memory_space<smem>>
    return
  }
}

</mosaic_0001>

<sc_bundles>
// kernel: kernel.4.cloned.1.call-start
scs
__scs_entry_jumppad:
0x0: {  	(pc) =	sbr.rel $0x88, $3  }
0x1: {  	(tag) =	ssettag $0x0;
	lr =	simm.s32 $0x1  }
0x2: {  	[smem:$0x3F9F] =	sst lr;
	_ =	strace $0xD0000000  }
0x3: {  	_ = 	snop  }
0x4: {  	_ = 	snop  }
0x5: {  	_ = 	snop  }
0x6: {  	_ = 	snop  }
0x7: {  	_ = 	snop  }
__scs_overlays_trampoline_lowered:
0x8: {  	[smem:$0x3FAE] =	sst s0  }
0x9: {  	[smem:$0x3FAF] =	sst s1  }
0xa: {  	[smem:$0x3FB0] =	sst s2  }
0xb: {  	[smem:$0x3FB1] =	sst s3  }
0xc: {  	[smem:$0x3FB2] =	sst s4  }
0xd: {  	[smem:$0x3FB3] =	sst s5  }
0xe: {  	[smem:$0x3FB4] =	sst s6  }
0xf: {  	[smem:$0x3FB5] =	sst s7  }
0x10: {  	[smem:$0x3FB6] =	sst s8  }
0x11: {  	[smem:$0x3FB7] =	sst s9;
	s0 =	simm.s32 @!p0 $0x0  }
0x12: {  	s1 =	sld [smem:$0x3F9D];
	s0 =	simm.s32 @p0 $0x1  }
0x13: {  	[smem:$0x3FB8] =	sst s0;
	s0 =	simm.s32 @!p1 $0x0  }
0x14: {  	s2 =	sld [smem:$0x3F9C];
	s0 =	simm.s32 @p1 $0x1  }
0x15: {  	[smem:$0x3FB9] =	sst s0;
	s0 =	simm.s32 @!p2 $0x0  }
0x16: {  	s3 =	sld [smem:$0x3FDB];
	s0 =	simm.s32 @p2 $0x1  }
0x17: {  	s4 =	simm.s32 $0x1BF5;
	[smem:$0x3FBB] =	sst s0  }
0x18: {  	s0 =	sld [smem:$0x3F9E];
	_ =	swait.ge [sflag:s4], $0x0  }
0x19: {  	s7 =	sld [smem:$0x3F9F]  }
0x1a: {  	s8 =	sadd.s32 $0xFFFFE003, lr  }
0x1b: {  	s9 =	sadd.s32 $0xFFFFFEF7, lr;
	s5 =	simm.s32 $0xFFFFFFFF;
	p2 =	slt.u32 s8, $0xFFFFF086  }
0x1c: {  	p1 =	slt.u32 s9, $0xF7A;
	s5 =	simm.s32 @!p2 $0x0  }
0x1d: {  	s5 =	simm.s32 @p1 $0x1;
	p0 =	seq.s32 s7, s2  }
0x1e: {  	s7 =	smul.u32 @!p0 $0xF7A, s2;
	p2 =	seq.s32 @!p0 s5, $0x0  }
0x1f: {  	s9 =	smul.u32 $0xF7A, s1;
	s8 =	simm.s32 @!p0 $0x1BF5;
	p2 =	por !p2, p0  }
0x20: {  	[sflag:s8] =	ssyncset.s32 @!p0 $0xFFFFF086;
	s6 =	sadd.s32 @!p0 s3, s7;
	s7 =	simm.s32 @!p0 $0x108  }
0x21: {  	s3 =	sadd.s32 s3, s9;
	s6 =	sadd.s32 @!p0 $0x88, s6;
	s7 =	simm.s32 @p2 $0x1082  }
0x22: {  	[simem:s7], [sflag:s8] =	dma.local @!p0 [hbm:s6], $0xF7A  }
0x23: {  	s9 =	sor.u32 $0xD0000000, s2;
	s6 =	simm.s32 $0x108;
	_ =	swait.ge @!p0 [sflag:s8], $0x0  }
0x24: {  	s3 =	sadd.s32 $0x88, s3;
	s6 =	simm.s32 @!p1 $0x1082;
	[sflag:s4] =	ssyncset.s32 $0xFFFFF086  }
0x25: {  	[simem:s6], [sflag:s4] =	dma.local [hbm:s3], $0xF7A  }
0x26: {  	[smem:$0x3F9F] =	sst s1;
	(tag) =	ssettag s2;
	_ =	strace s9  }
0x27: {  	s1 =	sld [smem:$0x3FAF]  }
0x28: {  	s2 =	sld [smem:$0x3FB0]  }
0x29: {  	s4 =	sld [smem:$0x3FB2]  }
0x2a: {  	p0 =	seq.s32 s5, $0x0;
	s5 =	sld [smem:$0x3FB3]  }
0x2b: {  	s6 =	sld [smem:$0x3FB4]  }
0x2c: {  	s7 =	sld [smem:$0x3FB5]  }
0x2d: {  	s3 =	simm.s32 $0x108;
	s8 =	sld [smem:$0x3FB6]  }
0x2e: {  	s3 =	simm.s32 @!p0 $0x1082;
	s9 =	sld [smem:$0x3FB7]  }
0x2f: {  	lr =	sadd.s32 s0, s3;
	s0 =	sld [smem:$0x3FAE]  }
0x30: {  	s3 =	sld [smem:$0x3FB1]  }
0x31: {  	[smem:$0x3FBA] =	sst s10  }
0x32: {  	s10 =	sld [smem:$0x3FB8];
	_ =	sdelay $0x3  }
0x33: {  	p0 =	seq.s32 s10, $0x1;
	s10 =	sld [smem:$0x3FBA];
	_ =	sdelay $0x3  }
0x34: {  	[smem:$0x3FBA] =	sst s10  }
0x35: {  	s10 =	sld [smem:$0x3FB9];
	_ =	sdelay $0x3  }
0x36: {  	p1 =	seq.s32 s10, $0x1;
	s10 =	sld [smem:$0x3FBA];
	_ =	sdelay $0x3  }
0x37: {  	[smem:$0x3FBA] =	sst s10  }
0x38: {  	s10 =	sld [smem:$0x3FBB]  }
0x39: {  	_ = 	snop;
	(pc) =	sbr.ind lr, $3  }
0x3a: {  	_ = 	snop  }
0x3b: {  	_ = 	snop  }
0x3c: {  	p2 =	seq.s32 s10, $0x1;
	s10 =	sld [smem:$0x3FBA]  }
0x3d: {  	_ =	shalt  }
0x3e: {  	_ =	shalt  }
0x3f: {  	_ =	shalt  }
0x40: {  	_ =	shalt  }
0x41: {  	_ =	shalt  }
0x42: {  	_ =	shalt  }
0x43: {  	_ =	shalt  }
0x44: {  	_ =	shalt  }
0x45: {  	_ =	shalt  }
0x46: {  	_ =	shalt  }
0x47: {  	_ =	shalt  }
0x48: {  	_ =	shalt  }
0x49: {  	_ =	shalt  }
0x4a: {  	_ =	shalt  }
0x4b: {  	_ =	shalt  }
0x4c: {  	_ =	shalt  }
0x4d: {  	_ =	shalt  }
0x4e: {  	_ =	shalt  }
0x4f: {  	_ =	shalt  }
0x50: {  	_ =	shalt  }
0x51: {  	_ =	shalt  }
0x52: {  	_ =	shalt  }
0x53: {  	_ =	shalt  }
0x54: {  	_ =	shalt  }
0x55: {  	_ =	shalt  }
0x56: {  	_ =	shalt  }
0x57: {  	_ =	shalt  }
0x58: {  	_ =	shalt  }
0x59: {  	_ =	shalt  }
0x5a: {  	_ =	shalt  }
0x5b: {  	_ =	shalt  }
0x5c: {  	_ =	shalt  }
0x5d: {  	_ =	shalt  }
0x5e: {  	_ =	shalt  }
0x5f: {  	_ =	shalt  }
0x60: {  	_ =	shalt  }
0x61: {  	_ =	shalt  }
0x62: {  	_ =	shalt  }
0x63: {  	_ =	shalt  }
0x64: {  	_ =	shalt  }
0x65: {  	_ =	shalt  }
0x66: {  	_ =	shalt  }
0x67: {  	_ =	shalt  }
0x68: {  	_ =	shalt  }
0x69: {  	_ =	shalt  }
0x6a: {  	_ =	shalt  }
0x6b: {  	_ =	shalt  }
0x6c: {  	_ =	shalt  }
0x6d: {  	_ =	shalt  }
0x6e: {  	_ =	shalt  }
0x6f: {  	_ =	shalt  }
0x70: {  	_ =	shalt  }
0x71: {  	_ =	shalt  }
0x72: {  	_ =	shalt  }
0x73: {  	_ =	shalt  }
0x74: {  	_ =	shalt  }
0x75: {  	_ =	shalt  }
0x76: {  	_ =	shalt  }
0x77: {  	_ =	shalt  }
0x78: {  	_ =	shalt  }
0x79: {  	_ =	shalt  }
0x7a: {  	_ =	shalt  }
0x7b: {  	_ =	shalt  }
0x7c: {  	_ =	shalt  }
0x7d: {  	_ =	shalt  }
0x7e: {  	_ =	shalt  }
0x7f: {  	_ =	shalt  }
0x80: {  	_ =	shalt  }
0x81: {  	_ =	shalt  }
0x82: {  	_ =	shalt  }
0x83: {  	_ =	shalt  }
0x84: {  	_ =	shalt  }
0x85: {  	_ =	shalt  }
0x86: {  	_ =	shalt  }
0x87: {  	_ =	shalt  }
.Lfunc_end0:
.L_simem_size_0:
called_computation_lowered:
.L_overlay_start_0:
0x88: {  	s2 =	sld [smem:$0x3FD9]  }
0x89: {  	s3 =	sld [smem:$0x3FFE];
	_ =	sdelay $0x1  }
0x8a: {  	s1 =	srdreg.scid  }
0x8b: {  	s0 =	sand.u32 $0x1, s1  }
0x8c: {  	s16 =	sshll.u32 s0, $0xA;
	s2 =	sadd.s32 s3, s2  }
0x8d: {  	s2 =	sadd.s32 s2, s16  }
0x8e: {  	[smem:$0x3FC6] =	sst s2  }
0x8f: {  	_ = 	snop  }
0x90: {  	(tm) =	ssettm $0x1  }
0x91: {  	s17 =	sld [smem:$0x3FFB];
	_ =	sdelay $0x3  }
0x92: {  	_ =	strace s17  }
0x93: {  	s2 =	sld [smem:$0x3FFC];
	_ =	sdelay $0x3  }
0x94: {  	_ =	strace s2  }
0x95: {  	s2 =	sld [smem:$0x3FFD];
	_ =	sdelay $0x3  }
0x96: {  	_ =	strace s2  }
0x97: {  	_ =	strace $0x8FFFFFFF  }
0x98: {  	s18 =	sld [smem:$0x3FDB];
	_ =	sdelay $0x1  }
0x99: {  	s19 =	simm.s32 $_scs_section_size  }
0x9a: {  	s4 =	simm.s32 $_size__tile_overlayer_lowered;
	s5 =	simm.s32 $_tile_overlayer_lowered  }
0x9b: {  	s22 =	simm.s32 $0x1BFF;
	s21 =	sshll.u32 s5, $0x1;
	s2 =	sadd.s32 s19, s18  }
0x9c: {  	s6 =	simm.s32 $0x0;
	s20 =	sshll.u32 s4, $0x1;
	s4 =	sadd.s32 s21, s2  }
0x9d: {  	[timem:s6], [sflag:s22] =	dma.local [hbm:s4], s20  }
0x9e: {  	_ =	swait.ge [sflag:s22], s20  }
0x9f: {  	s3 =	ssub.s32 $0x0, s20;
	[sflag:s22] =	ssyncset.done $0x0  }
0xa0: {  	[sflag:s22] =	ssyncadd.s32 s3;
	_ =	sdelay $0x1  }
0xa1: {  	s23 =	simm.s32 $0x1B8B  }
0xa2: {  	_ =	swait.ge [sflag:s23], $0x1  }
0xa3: {  	[sflag:s23] =	ssyncset.done $0x0  }
0xa4: {  	s25 =	simm.s32 $0x1B8E;
	s24 =	sld [smem:$0x3FFE];
	[sflag:s23] =	ssyncadd.s32 $0xFFFFFFFF  }
0xa5: {  	s26 =	simm.s32 $execute0_lowered;
	[smem:$0x3FD2] =	sst s25  }
0xa6: {  	s4 =	sshll.u32 s26, $0x1;
	_ =	strace $0x80000046;
	[dreg:$0x1] =	wrdreg $0xFFFFFFFF  }
0xa7: {  	s28 =	simm.s32 $_size_execute0_lowered;
	s2 =	sadd.s32 s2, s4;
	[dreg:$0x0] =	wrdreg $0x0  }
0xa8: {  	s4 =	sshll.u32 s28, $0x1;
	[dreg:$0x2] =	wrdreg s2  }
0xa9: {  	[dreg:$0x3] =	wrdreg s4  }
0xaa: {  	[dreg:$0x4] =	wrdreg $0xC0  }
0xab: {  	_ =	task [dreg:s6], $0x5FFFF  }
0xac: {  	[dreg:$0x1] =	wrdreg $0xFFFFFFFF  }
0xad: {  	[dreg:$0x0] =	wrdreg $0x60  }
0xae: {  	[dreg:$0x2] =	wrdreg s24  }
0xaf: {  	[dreg:$0x3] =	wrdreg $0x9  }
0xb0: {  	_ =	task.clear_ibuf [dreg:s6], $0x4FFFF;
	_ =	strace $0x90000046  }
0xb1: {  	s29 =	simm.s32 $0x9;
	_ =	strace $0x80000048  }
0xb2: {  	_ =	swait.ge [sflag:s29], $0x1  }
0xb3: {  	[sflag:s29] =	ssyncadd.s32 $0xFFFFFFFF  }
0xb4: {  	_ =	strace $0x90000048  }
0xb5: {  	_ =	sfence  }
0xb6: {  	s30 =	sld [smem:$0x0];
	_ =	sdelay $0x2  }
0xb7: {  	s31 =	sshll.u32 s1, $0xD;
	s1 =	sshrl.u32 s1, $0x2  }
0xb8: {  	s3 =	sand.u32 $0x4000, s31;
	s1 =	sadd.s32 s1, s30  }
0xb9: {  	s0 =	sor.u32 s3, s0;
	s1 =	sshll.u32 s1, $0x11  }
0xba: {  	s0 =	sor.u32 s1, s0  }
0xbb: {  	s0 =	sadd.s32 $0x8F2B, s0  }
0xbc: {  	[sflag:s0] =	ssyncadd.remote.s32 $0x1  }
0xbd: {  	_ =	sfence.sel $0xFFFF  }
0xbe: {  	[dreg:$0x0] =	wrdreg $0xFFFFFFFF;
	(pc) =	sbr.abs _section_cstart, $3  }
0xbf: {  	[dreg:$0x1] =	wrdreg $0xFFFFFFFF  }
0xc0: {  	_ =	task.clear_ibuf [dreg:s6], $0x2FFFF;
	_ =	strace $0x9FFFFFFF  }
0xc1: {  	(tm) =	ssettm $0x7FFFFFFF  }
tec
execute0_lowered:
.L_overlay_start_1:
0x0: {  	(tag) =	ssettag $0x1  }
0x1: {  	s3 =	rddreg [dreg:$0x0]  }
0x2: {  	s0 =	rddreg [dreg:$0x1];
	s2 =	simm.s32 $0x0;
	s4 =	srdreg.scid  }
0x3: {  	s1 =	stileid.u32;
	s10 =	simm.s32 $0x4000;
	s11 =	simm.s32 $0x1  }
0x4: {  	s12 =	simm.s32 $0x2;
	s13 =	simm.s32 $0x8000;
	s14 =	simm.s32 $0x3  }
0x5: {  	s15 =	simm.s32 $0x8080;
	s4 =	sand.u32 $0x1, s4;
	s5 =	sshll.u32 s1, $0x1  }
0x6: {  	s16 =	simm.s32 $0x0;
	[smem:$0x7FF] =	sst s2;
	s5 =	sor.u32 s4, s5  }
0x7: {  	_ =	strace $0x80000047;
	s4 =	ssub.s32 $0x2, s4;
	s6 =	sshll.u32 s5, $0xD  }
0x8: {  	s5 =	sshll.u32 s5, $0x4;
	s31 =	sshrl.u32 s4, $0x1;
	s6 =	sadd.s32 s6, s3  }
0x9: {  	s8 =	sadd.s32 s5, s3;
	s9 =	ssub.s32 s4, s31;
	s3 =	sadd.s32 $0xC00, s6  }
0xa: {  	s4 =	sadd.s32 $0x1400, s6;
	s5 =	sadd.s32 $0x1C00, s6;
	s6 =	sadd.s32 $0x2400, s6  }
0xb: {  	v0 =	vlaneseq.u32;
	v1 =	vimm.f32 $0.0e+00;
	s7 =	sadd.s32 $0x40C00, s8;
	s8 =	sadd.s32 $0x40E00, s8;
	s9 =	smax.u32 s9, $0x1  }
.LBB2_1:
0xc: {  	[tilespmem:s2], [sflag:$0x1] =	stream.linear.gather [hbm4b:s3+s2], $0x4000, $0x38;
	[tilespmem:$0x8100] =	vst v63  }
0xd: {  	_ = 	snop  }
0xe: {  	[tilespmem:s10], [sflag:$0x2] =	stream.linear.gather [hbm4b:s4+s2], $0x4000, $0x38;
	[tilespmem:$0x8100] =	vst v63  }
0xf: {  	_ =	swait.ge [sflag:s11], $0x4000  }
0x10: {  	[sflag:s11] =	ssyncset.done $0x0  }
0x11: {  	s17 =	simm.s32 $0x200;
	[sflag:s11] =	ssyncadd.s32 $0xFFFFC000  }
0x12: {  	v2 =	vld [tilespmem:s17+$0x80]  }
0x13: {  	v3 =	vld [tilespmem:s17+$0xFFFFFF80]  }
0x14: {  	v4 =	vld [tilespmem:s17+$0xFFFFFE00];
	_ =	sdelay $0x2  }
0x15: {  	v5 =	vld [tilespmem:s17+$0xFFFFFE80];
	(xrf0) =	vmax.scan.msk.f32 $0xffff, v2  }
0x16: {  	(xrf0) =	vmax.scan.msk.f32 $0xffff, v3  }
0x17: {  	(xrf0) =	vmax.scan.msk.f32 $0xffff, v4  }
0x18: {  	v6 =	vld [tilespmem:s17+$0x100]  }
0x19: {  	v7 =	vld [tilespmem:s17+$0xFFFFFF00]  }
0x1a: {  	(xrf0) =	vmax.scan.msk.f32 $0xffff, v5  }
0x1b: {  	v8, _, _ =	vpop (xrf0)  }
0x1c: {  	v8 =	vbroadcast v8, $0xF;
	v10, _, _ =	vpop (xrf0)  }
0x1d: {  	v9 =	vld [tilespmem:s17+$0x0];
	(xrf0) =	vmax.scan.msk.f32 $0xffff, v6;
	v11, _, _ =	vpop (xrf0)  }
0x1e: {  	(xrf0) =	vmax.scan.msk.f32 $0xffff, v7;
	v10 =	vbroadcast v10, $0xF;
	v12 =	vsub.f32 v2, v8;
	v11 =	vbroadcast v11, $0xF  }
0x1f: {  	vm1 =	veq.f32 v2, v8  }
0x20: {  	v13, _, _ =	vpop (xrf0);
	v15 =	vsub.f32 v3, v10;
	v12 =	vmul.f32 $1.442695020e+00, v12;
	v16 =	vsub.f32 v4, v11  }
0x21: {  	v14 =	vld [tilespmem:s17+$0x180];
	vm0 =	veq.f32 v4, v11;
	v4 =	vbroadcast v13, $0xF;
	v13 =	vmctz.xlane vm1  }
0x22: {  	s31 =	simm.s32 $0x600;
	(xrf0) =	vmax.scan.msk.f32 $0xffff, v9;
	v8 =	vmul.f32 $1.442695020e+00, v15;
	(erf) = vpow2.f32 v12  }
0x23: {  	v11 =	vld [tilespmem:s31+$0x80];
	v2, _, _ =	vpop (xrf0);
	v12 =	vmctz.xlane vm0;
	v18 =	vsub.f32 v5, v4;
	vm0 =	veq.f32 v5, v4  }
0x24: {  	v15, _, _ =	vpop (xrf0);
	(erf) = vpow2.f32 v8;
	v5 =	vmctz.xlane vm0  }
0x25: {  	v17 =	vld [tilespmem:s31+$0xFFFFFF80];
	v15 =	vbroadcast v15, $0xF;
	vm1 =	veq.s32 v12, v0;
	v8 =	vmul.f32 $1.442695020e+00, v18  }
0x26: {  	v4 =	vld [tilespmem:s31+$0xFFFFFE00];
	v16 =	vmul.f32 $1.442695020e+00, v16;
	(xrf0) =	vmax.scan.msk.f32 $0xffff, v14;
	v18 =	vbroadcast v2, $0xF;
	v12 =	vsel vm1, $0x3F800000, v1  }
0x27: {  	vm0 =	veq.s32 v5, v0;
	vm1 =	veq.f32 v7, v15;
	(erf) = vpow2.f32 v8  }
0x28: {  	v2, _, _ =	vpop (xrf0);
	(xrf0) =	vmax.scan.msk.f32 $0xffff, v11;
	v8 =	vadd.f32 v12, v1;
	v5 =	vmctz.xlane vm1;
	(erf) = vpow2.f32 v16  }
0x29: {  	vm1 =	veq.f32 v3, v10;
	v10 =	vbroadcast v2, $0xF;
	v2 =	vsel vm0, $0x3F800000, v1  }
0x2a: {  	(xrf0) =	vmax.scan.msk.f32 $0xffff, v17;
	v16 =	vld [tilespmem:s31+$0xFFFFFE80];
	v12 =	vmctz.xlane vm1;
	v8 =	vadd.f32 v2, v8;
	vm0 =	veq.s32 v5, v0  }
0x2b: {  	(xrf0) =	vmax.scan.msk.f32 $0xffff, v4;
	v5 =	vsub.f32 v6, v18;
	v20 =	vsel vm0, $0x3F800000, v1  }
0x2c: {  	v3 =	vld [tilespmem:s31+$0x100];
	v19, _, _ =	vpop (xrf0);
	vm1 =	veq.f32 v9, v10;
	vm0 =	veq.s32 v12, v0;
	v8 =	vadd.f32 v20, v8  }
0x2d: {  	v7 =	vsub.f32 v7, v15;
	v21 =	vmctz.xlane vm1;
	v2 =	vpop (erf);
	v20 =	vsel vm0, $0x3F800000, v1  }
0x2e: {  	vm1 =	veq.s32 v13, v0;
	v22, _, _ =	vpop (xrf0);
	v13 =	vmul.f32 $1.442695020e+00, v5;
	v5 =	vld [tilespmem:s31+$0xFFFFFF00];
	v8 =	vadd.f32 v20, v8  }
0x2f: {  	v7 =	vmul.f32 $1.442695020e+00, v7;
	v9 =	vsub.f32 v9, v10;
	v12 =	vpop (erf);
	(xrf0) =	vmax.scan.msk.f32 $0xffff, v16  }
0x30: {  	v19 =	vbroadcast v19, $0xF;
	vm0 =	veq.s32 v21, v0;
	v10, _, _ =	vpop (xrf0);
	(xrf2) =	vadd.scan.msk.f32 $0xffff, v2;
	(erf) = vpow2.f32 v13  }
0x31: {  	v9 =	vmul.f32 $1.442695020e+00, v9;
	v21 =	vsel vm0, $0x3F800000, v1;
	v23, _, _ =	vpop (xrf0);
	(xrf0) =	vmax.scan.msk.f32 $0xffff, v3;
	vm0 =	veq.f32 v6, v18  }
0x32: {  	(xrf2) =	vadd.scan.msk.f32 $0xffff, v12;
	v10 =	vbroadcast v10, $0xF;
	v18 =	vmctz.xlane vm0;
	v6 =	vadd.f32 v21, v8;
	v8 =	vpop (erf)  }
0x33: {  	vm2 =	veq.f32 v14, v19;
	v15 =	vbroadcast v23, $0xF;
	(erf) = vpow2.f32 v9;
	(xrf0) =	vmax.scan.msk.f32 $0xffff, v5;
	v13 =	vpop (erf)  }
0x34: {  	v20 =	vsel vm1, $0x3F800000, v1;
	v24 =	vmctz.xlane vm2;
	(erf) = vpow2.f32 v7;
	(xrf2) =	vadd.scan.msk.f32 $0xffff, v13  }
0x35: {  	vm0 =	veq.s32 v18, v0;
	v18 =	vsub.f32 v4, v15;
	vm1 =	veq.f32 v4, v15  }
0x36: {  	v21 =	vld [tilespmem:s31+$0x0];
	v20 =	vadd.f32 v20, v6;
	v6 =	vbroadcast v22, $0xF;
	v9 =	vmctz.xlane vm1  }
0x37: {  	v15 =	vsel vm0, $0x3F800000, v1;
	vm0 =	veq.f32 v17, v10;
	v7, _, _ =	vpop (xrf0);
	v18 =	vmul.f32 $1.442695020e+00, v18  }
0x38: {  	v22 =	vld [tilespmem:s31+$0x180];
	v4 =	vsub.f32 v11, v6;
	vm1 =	veq.f32 v11, v6;
	v6 =	vsub.f32 v14, v19;
	v14, _, _ =	vpop (xrf0)  }
0x39: {  	s18 =	simm.s32 $0xA00;
	v7 =	vbroadcast v7, $0xF;
	v19 =	vbroadcast v14, $0xF;
	v14 =	vsub.f32 v17, v10;
	v11 =	vpop (erf)  }
0x3a: {  	v27 =	vld [tilespmem:s18+$0x80];
	v28 =	vmctz.xlane vm0;
	vm3 =	veq.s32 v9, v0;
	v15 =	vadd.f32 v15, v20;
	(xrf2) =	vadd.scan.msk.f32 $0xffff, v8;
	v23, _, _ =	vpop (xrf0)  }
0x3b: {  	v9 =	vmctz.xlane vm1;
	(xrf0) =	vmax.scan.msk.f32 $0xffff, v21;
	v4 =	vmul.f32 $1.442695020e+00, v4;
	vm1 =	veq.f32 v16, v7;
	v17, _, _ =	vpop (xrf2)  }
0x3c: {  	v25 =	vsel vm3, $0x3F800000, v1;
	v10 =	vmul.f32 $1.442695020e+00, v6;
	v26 =	vmctz.xlane vm1;
	v6 =	vpop (erf)  }
0x3d: {  	v7 =	vsub.f32 v16, v7;
	(xrf0) =	vmax.scan.msk.f32 $0xffff, v22;
	(erf) = vpow2.f32 v4;
	v4 =	vmul.f32 $1.442695020e+00, v14;
	v14, _, _ =	vpop (xrf2)  }
0x3e: {  	vm0 =	veq.s32 v9, v0;
	vm1 =	veq.s32 v24, v0;
	v23 =	vbroadcast v23, $0xF;
	(xrf2) =	vadd.scan.msk.f32 $0xffff, v11;
	v29, _, _ =	vpop (xrf2)  }
0x3f: {  	v20 =	vsel vm1, $0x3F800000, v1;
	vm1 =	veq.s32 v28, v0;
	v28 =	vld [tilespmem:s18+$0xFFFFFF80];
	(xrf0) =	vmax.scan.msk.f32 $0xffff, v27;
	v9 =	vpop (erf);
	v29 =	vbroadcast v29, $0xF  }
0x40: {  	v7 =	vmul.f32 $1.442695020e+00, v7;
	(erf) = vpow2.f32 v10;
	v10 =	vsub.f32 v3, v19;
	(xrf2) =	vadd.scan.msk.f32 $0xffff, v9  }
0x41: {  	vm2 =	veq.s32 v26, v0;
	v15 =	vadd.f32 v20, v15;
	v24, _, _ =	vpop (xrf0);
	(erf) = vrcp.f32 v29  }
0x42: {  	v26 =	vsel vm1, $0x3F800000, v1;
	v29 =	vmul.f32 $1.442695020e+00, v10;
	v10 =	vbroadcast v24, $0xF;
	v24 =	vld [tilespmem:s18+$0xFFFFFE00]  }
0x43: {  	vm1 =	veq.f32 v5, v23;
	v30 =	vbroadcast v14, $0xF;
	v15 =	vadd.f32 v25, v15  }
0x44: {  	v14 =	vld [tilespmem:s18+$0xFFFFFE80];
	v25, _, _ =	vpop (xrf0);
	(xrf0) =	vmax.scan.msk.f32 $0xffff, v28;
	v20 =	vsub.f32 v21, v10;
	vm3 =	veq.f32 v21, v10;
	v10 =	vmctz.xlane vm1  }
0x45: {  	v23 =	vsub.f32 v5, v23;
	v31, _, _ =	vpop (xrf2);
	(xrf2) =	vadd.scan.msk.f32 $0xffff, v6;
	(erf) = vpow2.f32 v4;
	v21 =	vsel vm2, $0x3F800000, v1  }
0x46: {  	v32, _, _ =	vpop (xrf0);
	v15 =	vadd.f32 v21, v15;
	v21 =	vmctz.xlane vm3;
	vm1 =	veq.s32 v10, v0  }
0x47: {  	v16 =	vbroadcast v31, $0xF;
	v4 =	vpop (erf);
	v31 =	vmul.f32 $1.442695020e+00, v20;
	(xrf0) =	vmax.scan.msk.f32 $0xffff, v24;
	v20 =	vsel vm1, $0x3F800000, v1  }
0x48: {  	(erf) = vrcp.f32 v30;
	v30, _, _ =	vpop (xrf2);
	vm1 =	veq.s32 v21, v0;
	v15 =	vadd.f32 v20, v15  }
0x49: {  	v10 =	vpop (erf);
	(erf) = vrcp.f32 v16;
	v16 =	vsel vm0, $0x3F800000, v1;
	v20 =	vbroadcast v30, $0xF;
	(xrf0) =	vmax.scan.msk.f32 $0xffff, v14  }
0x4a: {  	vm0 =	veq.f32 v3, v19;
	v3 =	vld [tilespmem:s18+$0x100];
	v21 =	vsel vm1, $0x3F800000, v1;
	(erf) = vpow2.f32 v7;
	(xrf2) =	vadd.scan.msk.f32 $0xffff, v10;
	v19, _, _ =	vpop (xrf2)  }
0x4b: {  	v17 =	vbroadcast v17, $0xF;
	v5 =	vld [tilespmem:s18+$0xFFFFFF00];
	v34 =	vmul.f32 $1.442695020e+00, v23;
	v15 =	vadd.f32 v26, v15;
	v26, _, _ =	vpop (xrf0)  }
0x4c: {  	v25 =	vbroadcast v25, $0xF;
	(erf) = vrcp.f32 v20;
	v30 =	vpop (erf)  }
0x4d: {  	v20 =	vmctz.xlane vm0;
	v19 =	vbroadcast v19, $0xF;
	v15 =	vadd.f32 v21, v15;
	v21, _, _ =	vpop (xrf0)  }
0x4e: {  	(erf) = vpow2.f32 v18;
	v7 =	vpop (erf);
	v21 =	vbroadcast v21, $0xF  }
0x4f: {  	vm1 =	veq.f32 v22, v25;
	(erf) = vpow2.f32 v29;
	v29 =	vmul.f32 v30, v13;
	v13, _, _ =	vpop (xrf2);
	(xrf0) =	vmax.scan.msk.f32 $0xffff, v3  }
0x50: {  	v26 =	vbroadcast v26, $0xF;
	v18 =	vadd.f32 v16, v15;
	v15 =	vbroadcast v32, $0xF;
	v30, _, _ =	vpop (xrf0);
	(xrf0) =	vmax.scan.msk.f32 $0xffff, v5  }
0x51: {  	vm0 =	veq.s32 v20, v0;
	(xrf2) =	vadd.scan.msk.f32 $0xffff, v4;
	v20 =	vbroadcast v13, $0xF;
	v16 =	vpop (erf);
	(erf) = vrcp.f32 v19  }
0x52: {  	v19 =	vsub.f32 v24, v21;
	vm2 =	veq.f32 v24, v21;
	v24 =	vsub.f32 v27, v15;
	v21 =	vpop (erf)  }
0x53: {  	v32 =	vsub.f32 v22, v25;
	(erf) = vrcp.f32 v17;
	v17 =	vmctz.xlane vm2;
	v13 =	vpop (erf)  }
0x54: {  	v29 =	vadd.f32 v29, v1;
	v23 =	vmul.f32 v16, v12;
	v33 =	vmul.f32 $1.442695020e+00, v24;
	v35, _, _ =	vpop (xrf2)  }
0x55: {  	vm2 =	veq.f32 v27, v15;
	v25 =	vmul.f32 v21, v8;
	(erf) = vrcp.f32 v20;
	v27, _, _ =	vpop (xrf0)  }
0x56: {  	(xrf2) =	vadd.scan.msk.f32 $0xffff, v7;
	v8 =	vld [tilespmem:s18+$0x0];
	v24 =	vmctz.xlane vm2;
	v21 =	vmul.f32 $1.442695020e+00, v19;
	vm3 =	veq.s32 v17, v0;
	v12, _, _ =	vpop (xrf0)  }
0x57: {  	v19 =	vbroadcast v27, $0xF;
	v27 =	vadd.f32 v25, v29;
	v25 =	vsub.f32 v28, v26;
	v17 =	vpop (erf)  }
0x58: {  	(erf) = vpow2.f32 v31;
	v20 =	vmul.f32 v17, v11;
	v17 =	vpop (erf)  }
0x59: {  	v22 =	vsel vm0, $0x3F800000, v1;
	v31 =	vbroadcast v30, $0xF;
	v11 =	vpop (erf);
	(xrf2) =	vadd.scan.msk.f32 $0xffff, v17  }
0x5a: {  	vm0 =	veq.s32 v24, v0;
	v24 =	vmctz.xlane vm1;
	v16 =	vbroadcast v12, $0xF;
	v12 =	vld [tilespmem:s18+$0x180];
	v29 =	vpop (erf)  }
0x5b: {  	v15 =	vsel vm3, $0x3F800000, v1;
	(erf) = vpow2.f32 v34;
	v34 =	vmul.f32 $1.442695020e+00, v25;
	(xrf0) =	vmax.scan.msk.f32 $0xffff, v8;
	v25, _, _ =	vpop (xrf2)  }
0x5c: {  	s17 =	simm.s32 $0x10;
	vm1 =	veq.f32 v28, v26;
	s18 =	simm.s32 $0xE00;
	v26 =	vbroadcast v35, $0xF;
	vm2 =	veq.f32 v14, v31;
	(xrf2) =	vadd.scan.msk.f32 $0xffff, v13;
	v28 =	vpop (erf)  }
.LBB2_2:
0x5d: {  	v35 =	vmctz.xlane vm2  }
0x5e: {  	v30 =	vld [tilespmem:s18+$0xFFFFFE00];
	s17 =	sadd.s32 $0x8, s17;
	v36 =	vsub.f32 v3, v19;
	v18 =	vadd.f32 v22, v18;
	v37 =	vpop (erf);
	v40 =	vmctz.xlane vm1  }
0x5f: {  	vm1 =	veq.s32 v24, v0;
	v39 =	vmovc v5;
	v24 =	vmovc v12;
	v12 =	vmul.f32 $1.442695020e+00, v32;
	v22 =	vld [tilespmem:s18+$0x80];
	p0 =	slt.u32 s17, $0x78;
	(erf) = vrcp.f32 v26  }
0x60: {  	v9 =	vmul.f32 v29, v9;
	v32 =	vsel vm1, $0x3F800000, v1;
	v5 =	vld [tilespmem:s18+$0xFFFFFF00];
	(erf) = vpow2.f32 v33;
	v33, _, _ =	vpop (xrf2)  }
0x61: {  	v28 =	vmul.f32 v28, v2;
	vm1 =	veq.s32 v40, v0;
	v36 =	vmul.f32 $1.442695020e+00, v36;
	v26 =	vld [tilespmem:s18+$0xFFFFFF80];
	v38 =	vpop (erf);
	(xrf2) =	vadd.scan.msk.f32 $0xffff, v11  }
0x62: {  	v37 =	vmul.f32 v37, v6;
	vm2 =	veq.s32 v35, v0;
	v29 =	vsel vm1, $0x3F800000, v1;
	v35, _, _ =	vpop (xrf0)  }
0x63: {  	v18 =	vadd.f32 v32, v18;
	v27 =	vadd.f32 v9, v27;
	v35 =	vbroadcast v35, $0xF;
	v6, _, _ =	vpop (xrf2)  }
0x64: {  	vm1 =	veq.f32 v39, v16;
	v32 =	vld [tilespmem:s18+$0xFFFFFE80];
	(xrf0) =	vmax.scan.msk.f32 $0xffff, v24;
	v40 =	vbroadcast v6, $0xF;
	(erf) = vpow2.f32 v12;
	v6 =	vmovc v38  }
0x65: {  	v41 =	vsel vm0, $0x3F800000, v1;
	v38 =	vsub.f32 v8, v35;
	vm3 =	veq.f32 v8, v35;
	v8 =	vld [tilespmem:s18+$0x0];
	v9 =	vpop (erf)  }
0x66: {  	v2 =	vmovc v4;
	vm0 =	veq.f32 v3, v19;
	v35 =	vmctz.xlane vm1;
	(erf) = vrcp.f32 v40;
	(xrf2) =	vadd.scan.msk.f32 $0xffff, v9  }
0x67: {  	v33 =	vbroadcast v33, $0xF;
	v40 =	vsel vm2, $0x3F800000, v1;
	v12 =	vld [tilespmem:s18+$0x180];
	v38 =	vmul.f32 $1.442695020e+00, v38;
	v42, _, _ =	vpop (xrf2)  }
0x68: {  	v23 =	vadd.f32 v23, v27;
	v43 =	vmctz.xlane vm3;
	(xrf0) =	vmax.scan.msk.f32 $0xffff, v22;
	(erf) = vpow2.f32 v34;
	v27 =	vpop (erf)  }
0x69: {  	v19 =	vbroadcast v42, $0xF;
	v42 =	vadd.f32 v15, v18;
	v4 =	vpop (erf);
	v27 =	vmul.f32 v27, v10  }
0x6a: {  	vm1 =	veq.s32 v43, v0;
	v18 =	vadd.f32 v37, v23;
	v37 =	vsub.f32 v14, v31;
	v3 =	vld [tilespmem:s18+$0x100];
	v15, _, _ =	vpop (xrf0)  }
0x6b: {  	v23 =	vsel vm1, $0x3F800000, v1;
	vm1 =	veq.s32 v35, v0;
	(erf) = vrcp.f32 v33;
	(xrf2) =	vadd.scan.msk.f32 $0xffff, v6;
	v31, _, _ =	vpop (xrf2)  }
0x6c: {  	v18 =	vadd.f32 v28, v18;
	v28 =	vmul.f32 $1.442695020e+00, v37;
	v33 =	vadd.f32 v40, v42;
	(xrf0) =	vmax.scan.msk.f32 $0xffff, v26  }
0x6d: {  	v14 =	vmov v32;
	v34 =	vsel vm1, $0x3F800000, v1;
	(xrf0) =	vmax.scan.msk.f32 $0xffff, v30;
	v10 =	vpop (erf)  }
0x6e: {  	(erf) = vrcp.f32 v19;
	v19 =	vbroadcast v31, $0xF  }
0x6f: {  	v18 =	vadd.f32 v20, v18;
	v33 =	vadd.f32 v34, v33;
	v32, _, _ =	vpop (xrf0)  }
0x70: {  	(erf) = vpow2.f32 v28;
	v20 =	vpop (erf);
	(xrf2) =	vadd.scan.msk.f32 $0xffff, v10;
	v28 =	vmov v7  }
0x71: {  	v15 =	vbroadcast v15, $0xF;
	v27 =	vadd.f32 v27, v18;
	v29 =	vadd.f32 v29, v33;
	(xrf0) =	vmax.scan.msk.f32 $0xffff, v14;
	v31, _, _ =	vpop (xrf2)  }
0x72: {  	v7 =	vpop (erf);
	(erf) = vrcp.f32 v19;
	v19 =	vmov v13  }
0x73: {  	v33 =	vadd.f32 v23, v29;
	v23 =	vmctz.xlane vm0;
	v29 =	vbroadcast v31, $0xF;
	v34, _, _ =	vpop (xrf0)  }
0x74: {  	v16 =	vsub.f32 v39, v16;
	v18, _, _ =	vpop (xrf0);
	(erf) = vpow2.f32 v21;
	v21 =	vbroadcast v25, $0xF  }
0x75: {  	v37 =	vbroadcast v18, $0xF;
	v18 =	vadd.f32 v41, v33;
	(erf) = vpow2.f32 v36;
	v31 =	vpop (erf)  }
0x76: {  	vm0 =	veq.s32 v23, v0;
	v23 =	vmul.f32 v20, v17;
	(xrf0) =	vmax.scan.msk.f32 $0xffff, v3;
	(erf) = vrcp.f32 v29;
	v13, _, _ =	vpop (xrf2)  }
0x77: {  	v20 =	vbroadcast v32, $0xF;
	v17 =	vsub.f32 v30, v37;
	v35, _, _ =	vpop (xrf0);
	v29 =	vbroadcast v13, $0xF  }
0x78: {  	vm1 =	veq.f32 v24, v15;
	vm2 =	veq.f32 v30, v37;
	(xrf2) =	vadd.scan.msk.f32 $0xffff, v4;
	v25 =	vpop (erf);
	(erf) = vrcp.f32 v21  }
0x79: {  	v30 =	vsub.f32 v22, v20;
	v21 =	vmctz.xlane vm2;
	vm2 =	veq.f32 v22, v20;
	v13 =	vpop (erf)  }
0x7a: {  	v32 =	vsub.f32 v24, v15;
	v24 =	vmul.f32 v25, v19;
	(xrf0) =	vmax.scan.msk.f32 $0xffff, v5;
	(erf) = vrcp.f32 v29;
	v36, _, _ =	vpop (xrf2)  }
0x7b: {  	v22 =	vsel vm0, $0x3F800000, v1;
	v33 =	vmul.f32 $1.442695020e+00, v30;
	vm3 =	veq.s32 v21, v0;
	(xrf2) =	vadd.scan.msk.f32 $0xffff, v7;
	v19 =	vpop (erf)  }
0x7c: {  	v25 =	vmctz.xlane vm2;
	v15 =	vsel vm3, $0x3F800000, v1;
	v29, _, _ =	vpop (xrf0);
	v20 =	vmul.f32 v19, v11  }
0x7d: {  	v23 =	vadd.f32 v23, v27;
	v21 =	vmul.f32 $1.442695020e+00, v17;
	v17 =	vpop (erf);
	(erf) = vpow2.f32 v38  }
.Ltmp0:
0x7e: {  	v30 =	vbroadcast v34, $0xF;
	vm0 =	veq.s32 v25, v0;
	v25 =	vmul.f32 $1.442695020e+00, v16;
	(xrf2) =	vadd.scan.msk.f32 $0xffff, v17;
	v11 =	vpop (erf);
	(pc) =	sbr.rel @p0 .LBB2_2-.Ltmp0, $4  }
0x7f: {  	v27 =	vadd.f32 v24, v23;
	v23 =	vmul.f32 v31, v28;
	v19 =	vbroadcast v29, $0xF;
	v29 =	vpop (erf)  }
0x80: {  	v31 =	vbroadcast v35, $0xF;
	v34 =	vsub.f32 v26, v30;
	v24 =	vmctz.xlane vm1;
	v16, _, _ =	vpop (xrf0)  }
0x81: {  	vm1 =	veq.f32 v26, v30;
	v16 =	vbroadcast v16, $0xF;
	(xrf0) =	vmax.scan.msk.f32 $0xffff, v8;
	(erf) = vpow2.f32 v25;
	v28 =	vpop (erf)  }
0x82: {  	s18 =	sadd.s32 $0x400, s18;
	v26 =	vbroadcast v36, $0xF;
	vm2 =	veq.f32 v14, v31;
	v34 =	vmul.f32 $1.442695020e+00, v34;
	(xrf2) =	vadd.scan.msk.f32 $0xffff, v13;
	v25, _, _ =	vpop (xrf2)  }
0x83: {  	_ =	sdelay $0x1  }
0x84: {  	(erf) = vrcp.f32 v26;
	v26 =	vmul.f32 $1.442695020e+00, v32  }
0x85: {  	(erf) = vpow2.f32 v33  }
0x86: {  	v62 =	vpop (erf);
	(erf) = vpow2.f32 v26  }
0x87: {  	(xrf2) =	vadd.scan.msk.f32 $0xffff, v11;
	v63 =	vpop (erf)  }
0x88: {  	v30, _, _ =	vpop (xrf0)  }
0x89: {  	v35 =	vpop (erf)  }
0x8a: {  	v26, _, _ =	vpop (xrf2);
	(xrf2) =	vadd.scan.msk.f32 $0xffff, v35  }
0x8b: {  	v14 =	vsub.f32 v14, v31;
	v36, _, _ =	vpop (xrf2)  }
0x8c: {  	v36 =	vbroadcast v36, $0xF;
	v37, _, _ =	vpop (xrf2);
	(xrf2) =	vadd.scan.msk.f32 $0xffff, v63  }
0x8d: {  	v14 =	vmul.f32 $1.442695020e+00, v14;
	v38 =	vpop (erf)  }
0x8e: {  	v47 =	vbroadcast v26, $0xF;
	(erf) = vrcp.f32 v36;
	v26 =	vpop (erf)  }
0x8f: {  	(xrf0) =	vmax.scan.msk.f32 $0xffff, v12;
	v30 =	vbroadcast v30, $0xF;
	(erf) = vpow2.f32 v34;
	v31 =	vpop (erf)  }
0x90: {  	v48 =	vbroadcast v37, $0xF;
	(erf) = vrcp.f32 v47;
	(xrf2) =	vadd.scan.msk.f32 $0xffff, v31  }
0x91: {  	v49 =	vsub.f32 v3, v19;
	v50, _, _ =	vpop (xrf2)  }
0x92: {  	v39 =	vsub.f32 v8, v30;
	v51 =	vbroadcast v50, $0xF;
	(erf) = vrcp.f32 v48  }
0x93: {  	v36 =	vmul.f32 $1.442695020e+00, v49;
	(erf) = vpow2.f32 v14  }
0x94: {  	v52 =	vmul.f32 $1.442695020e+00, v39;
	(erf) = vrcp.f32 v51;
	v14, _, _ =	vpop (xrf2)  }
0x95: {  	v53, _, _ =	vpop (xrf0);
	(erf) = vpow2.f32 v21;
	v14 =	vbroadcast v14, $0xF  }
0x96: {  	v21 =	vbroadcast v25, $0xF;
	(erf) = vpow2.f32 v36;
	v25, _, _ =	vpop (xrf2)  }
0x97: {  	v55 =	vsub.f32 v5, v16;
	v54 =	vpop (erf);
	v25 =	vbroadcast v25, $0xF;
	(erf) = vrcp.f32 v14  }
0x98: {  	v56 =	vpop (erf);
	v14 =	vbroadcast v53, $0xF;
	(erf) = vrcp.f32 v21  }
0x99: {  	v40 =	vpop (erf);
	v21 =	vmul.f32 $1.442695020e+00, v55;
	(erf) = vrcp.f32 v25  }
0x9a: {  	v25 =	vsub.f32 v12, v14;
	v57, _, _ =	vpop (xrf2);
	(erf) = vpow2.f32 v52  }
0x9b: {  	(xrf2) =	vadd.scan.msk.f32 $0xffff, v26;
	v58 =	vpop (erf);
	(erf) = vpow2.f32 v21;
	v21 =	vbroadcast v57, $0xF  }
0x9c: {  	(xrf2) =	vadd.scan.msk.f32 $0xffff, v56;
	v59 =	vpop (erf);
	v25 =	vmul.f32 $1.442695020e+00, v25  }
0x9d: {  	v41 =	vpop (erf)  }
0x9e: {  	v42 =	vpop (erf);
	(erf) = vrcp.f32 v21  }
0x9f: {  	(xrf2) =	vadd.scan.msk.f32 $0xffff, v42;
	(erf) = vpow2.f32 v25;
	v21 =	vpop (erf)  }
0xa0: {  	v25 =	vpop (erf)  }
0xa1: {  	v43 =	vpop (erf)  }
0xa2: {  	v44 =	vpop (erf)  }
0xa3: {  	v9 =	vmul.f32 v29, v9;
	(xrf2) =	vadd.scan.msk.f32 $0xffff, v59;
	v45 =	vpop (erf)  }
0xa4: {  	(xrf2) =	vadd.scan.msk.f32 $0xffff, v21;
	v46 =	vpop (erf)  }
0xa5: {  	v9 =	vadd.f32 v9, v27;
	v27, _, _ =	vpop (xrf2);
	(xrf2) =	vadd.scan.msk.f32 $0xffff, v46  }
0xa6: {  	v48, _, _ =	vpop (xrf2)  }
0xa7: {  	v29 =	vpop (erf)  }
0xa8: {  	v6 =	vmul.f32 v62, v6;
	v9 =	vadd.f32 v23, v9;
	(xrf2) =	vadd.scan.msk.f32 $0xffff, v45;
	v47 =	vpop (erf)  }
0xa9: {  	v23, _, _ =	vpop (xrf2);
	(xrf2) =	vadd.scan.msk.f32 $0xffff, v47  }
0xaa: {  	v6 =	vadd.f32 v6, v9;
	v9 =	vbroadcast v23, $0xF;
	_ =	sdelay $0x1  }
0xab: {  	v2 =	vmul.f32 v28, v2  }
0xac: {  	v10 =	vmul.f32 v38, v10;
	v28 =	vbroadcast v48, $0xF;
	v23, _, _ =	vpop (xrf2)  }
0xad: {  	v2 =	vadd.f32 v2, v6;
	v6 =	vbroadcast v23, $0xF;
	(erf) = vrcp.f32 v9;
	v9, _, _ =	vpop (xrf2)  }
0xae: {  	(erf) = vrcp.f32 v28;
	v9 =	vbroadcast v9, $0xF;
	v23, _, _ =	vpop (xrf2)  }
0xaf: {  	v2 =	vadd.f32 v20, v2;
	(erf) = vrcp.f32 v6;
	v6 =	vbroadcast v23, $0xF  }
0xb0: {  	(erf) = vrcp.f32 v9;
	v9 =	vbroadcast v27, $0xF  }
0xb1: {  	v2 =	vadd.f32 v10, v2;
	v17 =	vmul.f32 v54, v17;
	v20, _, _ =	vpop (xrf2);
	(erf) = vrcp.f32 v6  }
0xb2: {  	v6 =	vbroadcast v20, $0xF;
	v10, _, _ =	vpop (xrf2);
	(erf) = vrcp.f32 v9  }
0xb3: {  	v2 =	vadd.f32 v17, v2;
	v9 =	vbroadcast v10, $0xF;
	v10 =	vmul.f32 v58, v13;
	_ =	sdelay $0x1  }
0xb4: {  	(erf) = vrcp.f32 v6;
	v6 =	vmul.f32 v25, v35;
	v2 =	vadd.f32 v10, v2  }
0xb5: {  	(erf) = vrcp.f32 v9  }
0xb6: {  	v7 =	vmul.f32 v40, v7;
	v2 =	vadd.f32 v6, v2  }
0xb7: {  	v9 =	vpop (erf)  }
0xb8: {  	v13 =	vmul.f32 v44, v63;
	v10 =	vpop (erf);
	v2 =	vadd.f32 v7, v2  }
0xb9: {  	v6 =	vpop (erf)  }
0xba: {  	v4 =	vmul.f32 v43, v4;
	v7 =	vpop (erf);
	v2 =	vadd.f32 v13, v2  }
0xbb: {  	v17 =	vpop (erf)  }
0xbc: {  	v18 =	vadd.f32 v22, v18;
	v11 =	vmul.f32 v41, v11;
	v13 =	vpop (erf);
	v2 =	vadd.f32 v4, v2  }
0xbd: {  	v22 =	vmctz.xlane vm1;
	vm1 =	veq.s32 v24, v0;
	vm3 =	veq.f32 v5, v16;
	v20 =	vpop (erf)  }
0xbe: {  	[tilespmem:s2], [sflag:$0x1] =	stream.linear.gather [hbm4b:s5+s2], $0x4000, $0x38;
	v24 =	vsel vm1, $0x3F800000, v1;
	v25 =	vmul.f32 v29, v31;
	v4 =	vpop (erf);
	v2 =	vadd.f32 v11, v2;
	[tilespmem:$0x8100] =	vst v63  }
0xbf: {  	v16 =	vmctz.xlane vm3;
	v23 =	vmctz.xlane vm2;
	_ =	swait.ge [sflag:s12], $0x4000;
	v11 =	vadd.f32 v24, v18  }
0xc0: {  	vm1 =	veq.s32 v22, v0;
	v5 =	vmul.f32 v9, v42;
	[sflag:s12] =	ssyncset.done $0x0;
	v2 =	vadd.f32 v25, v2  }
0xc1: {  	s17 =	simm.s32 $0x4200;
	vm3 =	veq.f32 v8, v30;
	vm2 =	veq.s32 v23, v0;
	[sflag:s12] =	ssyncadd.s32 $0xFFFFC000;
	v8 =	vadd.f32 v15, v11  }
0xc2: {  	v6 =	vmul.f32 v6, v59;
	v11 =	vsel vm2, $0x3F800000, v1;
	v9 =	vld [tilespmem:s17+$0x80];
	v2 =	vadd.f32 v5, v2  }
0xc3: {  	v15 =	vmctz.xlane vm3;
	vm2 =	veq.s32 v16, v0;
	v8 =	vadd.f32 v11, v8  }
0xc4: {  	v5 =	vld [tilespmem:s17+$0xFFFFFF80];
	v11 =	vsel vm2, $0x3F800000, v1;
	v2 =	vadd.f32 v6, v2;
	v6 =	vmul.f32 v17, v46  }
0xc5: {  	v16 =	vld [tilespmem:s17+$0xFFFFFE00];
	v17 =	vsel vm1, $0x3F800000, v1;
	vm1 =	veq.f32 v3, v19;
	v3 =	vadd.f32 v11, v8  }
0xc6: {  	v10 =	vmul.f32 v10, v56;
	vm2 =	veq.s32 v15, v0;
	v2 =	vadd.f32 v6, v2  }
0xc7: {  	v8 =	vld [tilespmem:s17+$0xFFFFFE80];
	v11 =	vmctz.xlane vm1;
	vm1 =	veq.f32 v12, v14;
	(xrf0) =	vmax.scan.msk.f32 $0xffff, v9;
	v3 =	vadd.f32 v17, v3  }
0xc8: {  	v12 =	vmul.f32 v20, v45;
	v6 =	vsel vm2, $0x3F800000, v1;
	v2 =	vadd.f32 v10, v2  }
0xc9: {  	v14 =	vsel vm0, $0x3F800000, v1;
	(xrf0) =	vmax.scan.msk.f32 $0xffff, v5;
	v3 =	vadd.f32 v6, v3;
	v6 =	vmctz.xlane vm1  }
0xca: {  	v15 =	vld [tilespmem:s17+$0x100];
	vm0 =	veq.s32 v11, v0;
	v11 =	vmul.f32 v13, v26;
	(xrf0) =	vmax.scan.msk.f32 $0xffff, v16;
	v2 =	vadd.f32 v12, v2  }
0xcb: {  	v10 =	vld [tilespmem:s17+$0xFFFFFF00]  }
0xcc: {  	v7 =	vmul.f32 v7, v21;
	(xrf0) =	vmax.scan.msk.f32 $0xffff, v8;
	v12 =	vsel vm0, $0x3F800000, v1;
	v2 =	vadd.f32 v11, v2  }
0xcd: {  	v3 =	vadd.f32 v14, v3;
	vm0 =	veq.s32 v6, v0;
	v6, _, _ =	vpop (xrf0)  }
0xce: {  	v6 =	vbroadcast v6, $0xF;
	v2 =	vadd.f32 v7, v2  }
0xcf: {  	v4 =	vmul.f32 v4, v47;
	(xrf0) =	vmax.scan.msk.f32 $0xffff, v15;
	v3 =	vadd.f32 v12, v3;
	v12, _, _ =	vpop (xrf0)  }
0xd0: {  	v13 =	vld [tilespmem:s17+$0x0];
	v11 =	vsel vm0, $0x3F800000, v1;
	(xrf0) =	vmax.scan.msk.f32 $0xffff, v10;
	v7, _, _ =	vpop (xrf0);
	v12 =	vbroadcast v12, $0xF;
	v14 =	vsub.f32 v9, v6  }
0xd1: {  	v3 =	vadd.f32 v11, v3;
	v7 =	vbroadcast v7, $0xF  }
0xd2: {  	v11 =	vadd.f32 v4, v2;
	v4 =	vmul.f32 $1.442695020e+00, v14;
	v14 =	vsub.f32 v5, v12;
	v2, _, _ =	vpop (xrf0)  }
0xd3: {  	vm1 =	veq.f32 v9, v6;
	v2 =	vbroadcast v2, $0xF  }
0xd4: {  	s31 =	simm.s32 $0x4600;
	v17 =	vld [tilespmem:s17+$0x180];
	vm0 =	veq.f32 v16, v7;
	v9 =	vmul.f32 $1.442695020e+00, v14;
	(erf) = vpow2.f32 v4  }
0xd5: {  	v18 =	vsub.f32 v16, v7;
	v7 =	vld [tilespmem:s31+$0x80];
	(xrf0) =	vmax.scan.msk.f32 $0xffff, v13;
	v6, _, _ =	vpop (xrf0);
	v4 =	vmctz.xlane vm0;
	v14 =	vmctz.xlane vm1  }
0xd6: {  	v16, _, _ =	vpop (xrf0);
	v6 =	vbroadcast v6, $0xF;
	v20 =	vsub.f32 v8, v2;
	vm0 =	veq.f32 v8, v2  }
0xd7: {  	v16 =	vbroadcast v16, $0xF;
	v2 =	vmctz.xlane vm0  }
0xd8: {  	v19 =	vld [tilespmem:s31+$0xFFFFFF80];
	(erf) = vpow2.f32 v9;
	vm1 =	veq.s32 v4, v0;
	v4 =	vmul.f32 $1.442695020e+00, v20  }
0xd9: {  	v21 =	vld [tilespmem:s31+$0xFFFFFE00];
	(xrf0) =	vmax.scan.msk.f32 $0xffff, v17;
	v9 =	vmul.f32 $1.442695020e+00, v18;
	v8 =	vsel vm1, $0x3F800000, v1;
	vm1 =	veq.f32 v10, v16  }
0xda: {  	(xrf0) =	vmax.scan.msk.f32 $0xffff, v7;
	v8 =	vadd.f32 v8, v3;
	vm0 =	veq.s32 v2, v0;
	(erf) = vpow2.f32 v4  }
0xdb: {  	v4 =	vmctz.xlane vm1;
	vm1 =	veq.f32 v5, v12;
	v2, _, _ =	vpop (xrf0);
	(erf) = vpow2.f32 v9  }
0xdc: {  	v18 =	vld [tilespmem:s31+$0xFFFFFE80];
	v5 =	vmctz.xlane vm1;
	v9 =	vbroadcast v2, $0xF;
	v2 =	vsel vm0, $0x3F800000, v1  }
0xdd: {  	(xrf0) =	vmax.scan.msk.f32 $0xffff, v19;
	vm0 =	veq.s32 v4, v0;
	v4 =	vsub.f32 v15, v6;
	v8 =	vadd.f32 v2, v8  }
0xde: {  	v10 =	vsub.f32 v10, v16;
	(xrf0) =	vmax.scan.msk.f32 $0xffff, v21;
	v12 =	vsel vm0, $0x3F800000, v1;
	vm0 =	veq.s32 v5, v0  }
0xdf: {  	v20, _, _ =	vpop (xrf0);
	vm1 =	veq.f32 v13, v9;
	v4 =	vmul.f32 $1.442695020e+00, v4;
	v8 =	vadd.f32 v12, v8  }
0xe0: {  	v23, _, _ =	vpop (xrf0);
	v22 =	vmctz.xlane vm1;
	vm1 =	veq.s32 v14, v0;
	v14 =	vsel vm0, $0x3F800000, v1  }
0xe1: {  	v3 =	vld [tilespmem:s31+$0x100];
	(xrf0) =	vmax.scan.msk.f32 $0xffff, v18;
	v16 =	vbroadcast v20, $0xF;
	v9 =	vsub.f32 v13, v9;
	v2 =	vpop (erf);
	v8 =	vadd.f32 v14, v8  }
0xe2: {  	v10 =	vmul.f32 $1.442695020e+00, v10;
	v12 =	vpop (erf);
	(erf) = vpow2.f32 v4;
	(xrf2) =	vadd.scan.msk.f32 $0xffff, v2;
	vm0 =	veq.s32 v22, v0  }
0xe3: {  	vm2 =	veq.f32 v17, v16;
	v4 =	vmul.f32 $1.442695020e+00, v9;
	v14, _, _ =	vpop (xrf0);
	v13 =	vsel vm0, $0x3F800000, v1  }
0xe4: {  	v25 =	vmctz.xlane vm2;
	(xrf2) =	vadd.scan.msk.f32 $0xffff, v12;
	v24, _, _ =	vpop (xrf0)  }
0xe5: {  	v5 =	vld [tilespmem:s31+$0xFFFFFF00];
	vm0 =	veq.f32 v15, v6;
	(erf) = vpow2.f32 v4;
	v6 =	vadd.f32 v13, v8;
	v8 =	vpop (erf)  }
0xe6: {  	v22 =	vsel vm1, $0x3F800000, v1;
	(xrf0) =	vmax.scan.msk.f32 $0xffff, v3;
	v9 =	vmctz.xlane vm0;
	(erf) = vpow2.f32 v10;
	v13 =	vpop (erf)  }
0xe7: {  	v15 =	vbroadcast v24, $0xF;
	v10, _, _ =	vpop (xrf0);
	v20 =	vadd.f32 v22, v6;
	v6 =	vbroadcast v23, $0xF;
	(xrf2) =	vadd.scan.msk.f32 $0xffff, v13  }
0xe8: {  	v14 =	vbroadcast v14, $0xF;
	vm0 =	veq.s32 v9, v0;
	v22 =	vld [tilespmem:s31+$0x0];
	v10 =	vbroadcast v10, $0xF  }
0xe9: {  	v9 =	vsub.f32 v21, v15;
	vm1 =	veq.f32 v21, v15;
	v15 =	vsub.f32 v7, v6  }
0xea: {  	(xrf0) =	vmax.scan.msk.f32 $0xffff, v5;
	v4 =	vmctz.xlane vm1;
	vm1 =	veq.f32 v7, v6;
	v6 =	vsub.f32 v17, v16  }
0xeb: {  	v23 =	vld [tilespmem:s31+$0x180];
	v17 =	vsel vm0, $0x3F800000, v1;
	vm0 =	veq.f32 v19, v14;
	v7 =	vmul.f32 $1.442695020e+00, v15;
	v16 =	vpop (erf)  }
0xec: {  	s18 =	simm.s32 $0x4A00;
	v21 =	vmul.f32 $1.442695020e+00, v9;
	(xrf2) =	vadd.scan.msk.f32 $0xffff, v8;
	v9 =	vsub.f32 v19, v14;
	v29 =	vmctz.xlane vm0;
	v19, _, _ =	vpop (xrf2)  }
0xed: {  	v28 =	vld [tilespmem:s18+$0x80];
	vm3 =	veq.s32 v4, v0;
	v4 =	vmctz.xlane vm1;
	(xrf0) =	vmax.scan.msk.f32 $0xffff, v22;
	v15, _, _ =	vpop (xrf0);
	(erf) = vpow2.f32 v7  }
0xee: {  	vm1 =	veq.f32 v18, v10;
	v7 =	vmul.f32 $1.442695020e+00, v9;
	v9 =	vmul.f32 $1.442695020e+00, v6;
	v14, _, _ =	vpop (xrf2)  }
0xef: {  	v17 =	vadd.f32 v17, v20;
	v27 =	vmctz.xlane vm1;
	vm1 =	veq.s32 v25, v0;
	(xrf2) =	vadd.scan.msk.f32 $0xffff, v16;
	v6 =	vpop (erf)  }
0xf0: {  	v26 =	vsel vm3, $0x3F800000, v1;
	vm0 =	veq.s32 v4, v0;
	v20 =	vsel vm1, $0x3F800000, v1;
	v24, _, _ =	vpop (xrf0);
	(xrf0) =	vmax.scan.msk.f32 $0xffff, v23  }
0xf1: {  	v60 =	vld [tilespmem:s18+$0xFFFFFF80];
	vm1 =	veq.s32 v29, v0;
	v15 =	vbroadcast v15, $0xF;
	vm2 =	veq.s32 v27, v0;
	v30, _, _ =	vpop (xrf2)  }
0xf2: {  	v17 =	vadd.f32 v20, v17;
	(erf) = vpow2.f32 v9;
	(xrf0) =	vmax.scan.msk.f32 $0xffff, v28;
	v9 =	vpop (erf);
	v4 =	vbroadcast v30, $0xF  }
0xf3: {  	v20 =	vbroadcast v14, $0xF;
	v24 =	vbroadcast v24, $0xF;
	v25, _, _ =	vpop (xrf0);
	v30 =	vsub.f32 v3, v15  }
0xf4: {  	v27 =	vsel vm1, $0x3F800000, v1;
	(xrf2) =	vadd.scan.msk.f32 $0xffff, v9;
	(erf) = vrcp.f32 v4;
	v4 =	vbroadcast v25, $0xF  }
0xf5: {  	v17 =	vadd.f32 v26, v17;
	vm1 =	veq.f32 v5, v24;
	v25 =	vld [tilespmem:s18+$0xFFFFFE00];
	(erf) = vpow2.f32 v7  }
0xf6: {  	(xrf0) =	vmax.scan.msk.f32 $0xffff, v60;
	v31, _, _ =	vpop (xrf0);
	v7 =	vsub.f32 v22, v4;
	vm3 =	veq.f32 v22, v4;
	v22 =	vmctz.xlane vm1  }
0xf7: {  	v10 =	vsub.f32 v18, v10;
	v26 =	vsel vm2, $0x3F800000, v1;
	v29 =	vmul.f32 $1.442695020e+00, v30;
	v30, _, _ =	vpop (xrf2)  }
0xf8: {  	v14 =	vld [tilespmem:s18+$0xFFFFFE80];
	v17 =	vadd.f32 v26, v17;
	v61, _, _ =	vpop (xrf0);
	(xrf2) =	vadd.scan.msk.f32 $0xffff, v6;
	v18 =	vbroadcast v30, $0xF;
	vm1 =	veq.s32 v22, v0  }
0xf9: {  	v30 =	vmctz.xlane vm3;
	v4 =	vpop (erf);
	(erf) = vrcp.f32 v20;
	v22 =	vsel vm1, $0x3F800000, v1  }
0xfa: {  	v20, _, _ =	vpop (xrf2);
	v26 =	vmul.f32 $1.442695020e+00, v7;
	v7 =	vmul.f32 $1.442695020e+00, v10;
	(xrf0) =	vmax.scan.msk.f32 $0xffff, v25;
	v17 =	vadd.f32 v22, v17  }
0xfb: {  	v10 =	vpop (erf);
	(erf) = vrcp.f32 v18;
	v18 =	vsel vm0, $0x3F800000, v1;
	v20 =	vbroadcast v20, $0xF  }
0xfc: {  	vm0 =	veq.f32 v3, v15;
	v3 =	vld [tilespmem:s18+$0x100];
	vm1 =	veq.s32 v30, v0;
	v30 =	vbroadcast v31, $0xF;
	v31, _, _ =	vpop (xrf0);
	(xrf2) =	vadd.scan.msk.f32 $0xffff, v10  }
0xfd: {  	(erf) = vpow2.f32 v7;
	(xrf0) =	vmax.scan.msk.f32 $0xffff, v14;
	v15 =	vadd.f32 v27, v17;
	v27 =	vsel vm1, $0x3F800000, v1;
	v22 =	vpop (erf)  }
0xfe: {  	(erf) = vrcp.f32 v20;
	v17, _, _ =	vpop (xrf2)  }
0xff: {  	v19 =	vbroadcast v19, $0xF;
	(erf) = vpow2.f32 v21;
	v7 =	vpop (erf)  }
0x100: {  	v20 =	vmctz.xlane vm0;
	v15 =	vadd.f32 v27, v15;
	(erf) = vpow2.f32 v29;
	v27, _, _ =	vpop (xrf0)  }
0x101: {  	v24 =	vsub.f32 v5, v24;
	v5 =	vld [tilespmem:s18+$0xFFFFFF00];
	(xrf0) =	vmax.scan.msk.f32 $0xffff, v3;
	v17 =	vbroadcast v17, $0xF;
	v21 =	vbroadcast v27, $0xF  }
0x102: {  	v18 =	vadd.f32 v18, v15;
	v27 =	vmul.f32 v22, v13;
	v13, _, _ =	vpop (xrf2);
	v15 =	vbroadcast v61, $0xF  }
0x103: {  	v32 =	vsub.f32 v23, v30;
	vm1 =	veq.f32 v23, v30;
	vm0 =	veq.s32 v20, v0;
	v62, _, _ =	vpop (xrf0)  }
0x104: {  	(xrf2) =	vadd.scan.msk.f32 $0xffff, v4;
	v29 =	vpop (erf);
	(erf) = vrcp.f32 v17;
	vm2 =	veq.f32 v25, v21;
	v22 =	vsub.f32 v28, v15  }
0x105: {  	v17 =	vsub.f32 v25, v21;
	v21 =	vpop (erf);
	(erf) = vrcp.f32 v19;
	v19 =	vmctz.xlane vm2  }
0x106: {  	(xrf0) =	vmax.scan.msk.f32 $0xffff, v5;
	v20 =	vbroadcast v13, $0xF;
	vm2 =	veq.f32 v28, v15;
	v30, _, _ =	vpop (xrf2);
	v33 =	vmul.f32 $1.442695020e+00, v22  }
0x107: {  	v28, _, _ =	vpop (xrf0);
	v23 =	vmul.f32 v21, v8;
	v25 =	vmctz.xlane vm2  }
0x108: {  	v22 =	vsel vm0, $0x3F800000, v1;
	v13 =	vpop (erf);
	(erf) = vrcp.f32 v20;
	v21 =	vmul.f32 $1.442695020e+00, v17  }
0x109: {  	(xrf2) =	vadd.scan.msk.f32 $0xffff, v7;
	v8 =	vld [tilespmem:s18+$0x0];
	vm3 =	veq.s32 v19, v0;
	(erf) = vpow2.f32 v26;
	vm0 =	veq.s32 v25, v0;
	v19 =	vpop (erf)  }
0x10a: {  	v25 =	vmul.f32 $1.442695020e+00, v24;
	v20 =	vmul.f32 v19, v16;
	v17 =	vpop (erf);
	v16 =	vadd.f32 v27, v11  }
0x10b: {  	v26 =	vbroadcast v31, $0xF;
	v31 =	vbroadcast v62, $0xF;
	v11 =	vpop (erf)  }
0x10c: {  	v15 =	vsel vm3, $0x3F800000, v1;
	(xrf2) =	vadd.scan.msk.f32 $0xffff, v17;
	v27 =	vadd.f32 v23, v16;
	v23 =	vmul.f32 v29, v12;
	v12, _, _ =	vpop (xrf0)  }
0x10d: {  	v24 =	vmctz.xlane vm1;
	v63 =	vsub.f32 v60, v26;
	v29 =	vpop (erf);
	v16 =	vbroadcast v12, $0xF;
	v12 =	vld [tilespmem:s18+$0x180]  }
0x10e: {  	vm1 =	veq.f32 v60, v26;
	v26 =	vbroadcast v30, $0xF;
	(erf) = vpow2.f32 v25;
	(xrf0) =	vmax.scan.msk.f32 $0xffff, v8;
	v25, _, _ =	vpop (xrf2)  }
0x10f: {  	s17 =	simm.s32 $0x10;
	vm2 =	veq.f32 v14, v31;
	v19 =	vbroadcast v28, $0xF;
	v34 =	vmul.f32 $1.442695020e+00, v63;
	(xrf2) =	vadd.scan.msk.f32 $0xffff, v13;
	s18 =	simm.s32 $0x4E00;
	v28 =	vpop (erf)  }
.LBB2_4:
0x110: {  	v35 =	vmctz.xlane vm2  }
0x111: {  	v30 =	vld [tilespmem:s18+$0xFFFFFE00];
	s17 =	sadd.s32 $0x8, s17;
	v36 =	vsub.f32 v3, v19;
	v18 =	vadd.f32 v22, v18;
	v37 =	vpop (erf);
	v40 =	vmctz.xlane vm1  }
0x112: {  	vm1 =	veq.s32 v24, v0;
	v39 =	vmovc v5;
	v24 =	vmovc v12;
	v12 =	vmul.f32 $1.442695020e+00, v32;
	v22 =	vld [tilespmem:s18+$0x80];
	p0 =	slt.u32 s17, $0x78;
	(erf) = vrcp.f32 v26  }
0x113: {  	v9 =	vmul.f32 v29, v9;
	v32 =	vsel vm1, $0x3F800000, v1;
	v5 =	vld [tilespmem:s18+$0xFFFFFF00];
	(erf) = vpow2.f32 v33;
	v33, _, _ =	vpop (xrf2)  }
0x114: {  	v28 =	vmul.f32 v28, v2;
	vm1 =	veq.s32 v40, v0;
	v36 =	vmul.f32 $1.442695020e+00, v36;
	v26 =	vld [tilespmem:s18+$0xFFFFFF80];
	v38 =	vpop (erf);
	(xrf2) =	vadd.scan.msk.f32 $0xffff, v11  }
0x115: {  	v37 =	vmul.f32 v37, v6;
	vm2 =	veq.s32 v35, v0;
	v29 =	vsel vm1, $0x3F800000, v1;
	v35, _, _ =	vpop (xrf0)  }
0x116: {  	v18 =	vadd.f32 v32, v18;
	v27 =	vadd.f32 v9, v27;
	v35 =	vbroadcast v35, $0xF;
	v6, _, _ =	vpop (xrf2)  }
0x117: {  	vm1 =	veq.f32 v39, v16;
	v32 =	vld [tilespmem:s18+$0xFFFFFE80];
	(xrf0) =	vmax.scan.msk.f32 $0xffff, v24;
	v40 =	vbroadcast v6, $0xF;
	(erf) = vpow2.f32 v12;
	v6 =	vmovc v38  }
0x118: {  	v41 =	vsel vm0, $0x3F800000, v1;
	v38 =	vsub.f32 v8, v35;
	vm3 =	veq.f32 v8, v35;
	v8 =	vld [tilespmem:s18+$0x0];
	v9 =	vpop (erf)  }
0x119: {  	v2 =	vmovc v4;
	vm0 =	veq.f32 v3, v19;
	v35 =	vmctz.xlane vm1;
	(erf) = vrcp.f32 v40;
	(xrf2) =	vadd.scan.msk.f32 $0xffff, v9  }
0x11a: {  	v33 =	vbroadcast v33, $0xF;
	v40 =	vsel vm2, $0x3F800000, v1;
	v12 =	vld [tilespmem:s18+$0x180];
	v38 =	vmul.f32 $1.442695020e+00, v38;
	v42, _, _ =	vpop (xrf2)  }
0x11b: {  	v23 =	vadd.f32 v23, v27;
	v43 =	vmctz.xlane vm3;
	(xrf0) =	vmax.scan.msk.f32 $0xffff, v22;
	(erf) = vpow2.f32 v34;
	v27 =	vpop (erf)  }
0x11c: {  	v19 =	vbroadcast v42, $0xF;
	v42 =	vadd.f32 v15, v18;
	v4 =	vpop (erf);
	v27 =	vmul.f32 v27, v10  }
0x11d: {  	vm1 =	veq.s32 v43, v0;
	v18 =	vadd.f32 v37, v23;
	v37 =	vsub.f32 v14, v31;
	v3 =	vld [tilespmem:s18+$0x100];
	v15, _, _ =	vpop (xrf0)  }
0x11e: {  	v23 =	vsel vm1, $0x3F800000, v1;
	vm1 =	veq.s32 v35, v0;
	(erf) = vrcp.f32 v33;
	(xrf2) =	vadd.scan.msk.f32 $0xffff, v6;
	v31, _, _ =	vpop (xrf2)  }
0x11f: {  	v18 =	vadd.f32 v28, v18;
	v28 =	vmul.f32 $1.442695020e+00, v37;
	v33 =	vadd.f32 v40, v42;
	(xrf0) =	vmax.scan.msk.f32 $0xffff, v26  }
0x120: {  	v14 =	vmov v32;
	v34 =	vsel vm1, $0x3F800000, v1;
	(xrf0) =	vmax.scan.msk.f32 $0xffff, v30;
	v10 =	vpop (erf)  }
0x121: {  	(erf) = vrcp.f32 v19;
	v19 =	vbroadcast v31, $0xF  }
0x122: {  	v18 =	vadd.f32 v20, v18;
	v33 =	vadd.f32 v34, v33;
	v32, _, _ =	vpop (xrf0)  }
0x123: {  	(erf) = vpow2.f32 v28;
	v20 =	vpop (erf);
	(xrf2) =	vadd.scan.msk.f32 $0xffff, v10;
	v28 =	vmov v7  }
0x124: {  	v15 =	vbroadcast v15, $0xF;
	v27 =	vadd.f32 v27, v18;
	v29 =	vadd.f32 v29, v33;
	(xrf0) =	vmax.scan.msk.f32 $0xffff, v14;
	v31, _, _ =	vpop (xrf2)  }
0x125: {  	v7 =	vpop (erf);
	(erf) = vrcp.f32 v19;
	v19 =	vmov v13  }
0x126: {  	v33 =	vadd.f32 v23, v29;
	v23 =	vmctz.xlane vm0;
	v29 =	vbroadcast v31, $0xF;
	v34, _, _ =	vpop (xrf0)  }
0x127: {  	v16 =	vsub.f32 v39, v16;
	v18, _, _ =	vpop (xrf0);
	(erf) = vpow2.f32 v21;
	v21 =	vbroadcast v25, $0xF  }
0x128: {  	v37 =	vbroadcast v18, $0xF;
	v18 =	vadd.f32 v41, v33;
	(erf) = vpow2.f32 v36;
	v31 =	vpop (erf)  }
0x129: {  	vm0 =	veq.s32 v23, v0;
	v23 =	vmul.f32 v20, v17;
	(xrf0) =	vmax.scan.msk.f32 $0xffff, v3;
	(erf) = vrcp.f32 v29;
	v13, _, _ =	vpop (xrf2)  }
0x12a: {  	v20 =	vbroadcast v32, $0xF;
	v17 =	vsub.f32 v30, v37;
	v35, _, _ =	vpop (xrf0);
	v29 =	vbroadcast v13, $0xF  }
0x12b: {  	vm1 =	veq.f32 v24, v15;
	vm2 =	veq.f32 v30, v37;
	(xrf2) =	vadd.scan.msk.f32 $0xffff, v4;
	v25 =	vpop (erf);
	(erf) = vrcp.f32 v21  }
0x12c: {  	v30 =	vsub.f32 v22, v20;
	v21 =	vmctz.xlane vm2;
	vm2 =	veq.f32 v22, v20;
	v13 =	vpop (erf)  }
0x12d: {  	v32 =	vsub.f32 v24, v15;
	v24 =	vmul.f32 v25, v19;
	(xrf0) =	vmax.scan.msk.f32 $0xffff, v5;
	(erf) = vrcp.f32 v29;
	v36, _, _ =	vpop (xrf2)  }
0x12e: {  	v22 =	vsel vm0, $0x3F800000, v1;
	v33 =	vmul.f32 $1.442695020e+00, v30;
	vm3 =	veq.s32 v21, v0;
	(xrf2) =	vadd.scan.msk.f32 $0xffff, v7;
	v19 =	vpop (erf)  }
0x12f: {  	v25 =	vmctz.xlane vm2;
	v15 =	vsel vm3, $0x3F800000, v1;
	v29, _, _ =	vpop (xrf0);
	v20 =	vmul.f32 v19, v11  }
0x130: {  	v23 =	vadd.f32 v23, v27;
	v21 =	vmul.f32 $1.442695020e+00, v17;
	v17 =	vpop (erf);
	(erf) = vpow2.f32 v38  }
.Ltmp1:
0x131: {  	v30 =	vbroadcast v34, $0xF;
	vm0 =	veq.s32 v25, v0;
	v25 =	vmul.f32 $1.442695020e+00, v16;
	(xrf2) =	vadd.scan.msk.f32 $0xffff, v17;
	v11 =	vpop (erf);
	(pc) =	sbr.rel @p0 .LBB2_4-.Ltmp1, $4  }
0x132: {  	v27 =	vadd.f32 v24, v23;
	v23 =	vmul.f32 v31, v28;
	v19 =	vbroadcast v29, $0xF;
	v29 =	vpop (erf)  }
0x133: {  	v31 =	vbroadcast v35, $0xF;
	v34 =	vsub.f32 v26, v30;
	v24 =	vmctz.xlane vm1;
	v16, _, _ =	vpop (xrf0)  }
0x134: {  	vm1 =	veq.f32 v26, v30;
	v16 =	vbroadcast v16, $0xF;
	(xrf0) =	vmax.scan.msk.f32 $0xffff, v8;
	(erf) = vpow2.f32 v25;
	v28 =	vpop (erf)  }
0x135: {  	s18 =	sadd.s32 $0x400, s18;
	v26 =	vbroadcast v36, $0xF;
	vm2 =	veq.f32 v14, v31;
	v34 =	vmul.f32 $1.442695020e+00, v34;
	(xrf2) =	vadd.scan.msk.f32 $0xffff, v13;
	v25, _, _ =	vpop (xrf2)  }
0x136: {  	_ =	sdelay $0x1  }
0x137: {  	(erf) = vrcp.f32 v26;
	v26 =	vmul.f32 $1.442695020e+00, v32  }
0x138: {  	(erf) = vpow2.f32 v33  }
0x139: {  	v62 =	vpop (erf);
	(erf) = vpow2.f32 v26  }
0x13a: {  	(xrf2) =	vadd.scan.msk.f32 $0xffff, v11;
	v63 =	vpop (erf)  }
0x13b: {  	v30, _, _ =	vpop (xrf0)  }
0x13c: {  	v35 =	vpop (erf)  }
0x13d: {  	v26, _, _ =	vpop (xrf2);
	(xrf2) =	vadd.scan.msk.f32 $0xffff, v35  }
0x13e: {  	v14 =	vsub.f32 v14, v31;
	v36, _, _ =	vpop (xrf2)  }
0x13f: {  	v36 =	vbroadcast v36, $0xF;
	v37, _, _ =	vpop (xrf2);
	(xrf2) =	vadd.scan.msk.f32 $0xffff, v63  }
0x140: {  	v14 =	vmul.f32 $1.442695020e+00, v14;
	v38 =	vpop (erf)  }
0x141: {  	v47 =	vbroadcast v26, $0xF;
	(erf) = vrcp.f32 v36;
	v26 =	vpop (erf)  }
0x142: {  	(xrf0) =	vmax.scan.msk.f32 $0xffff, v12;
	v30 =	vbroadcast v30, $0xF;
	(erf) = vpow2.f32 v34;
	v31 =	vpop (erf)  }
0x143: {  	v48 =	vbroadcast v37, $0xF;
	(erf) = vrcp.f32 v47;
	(xrf2) =	vadd.scan.msk.f32 $0xffff, v31  }
0x144: {  	v49 =	vsub.f32 v3, v19;
	v50, _, _ =	vpop (xrf2)  }
0x145: {  	v39 =	vsub.f32 v8, v30;
	v51 =	vbroadcast v50, $0xF;
	(erf) = vrcp.f32 v48  }
0x146: {  	v36 =	vmul.f32 $1.442695020e+00, v49;
	(erf) = vpow2.f32 v14  }
0x147: {  	v52 =	vmul.f32 $1.442695020e+00, v39;
	(erf) = vrcp.f32 v51;
	v14, _, _ =	vpop (xrf2)  }
0x148: {  	v53, _, _ =	vpop (xrf0);
	(erf) = vpow2.f32 v21;
	v14 =	vbroadcast v14, $0xF  }
0x149: {  	v21 =	vbroadcast v25, $0xF;
	(erf) = vpow2.f32 v36;
	v25, _, _ =	vpop (xrf2)  }
0x14a: {  	v55 =	vsub.f32 v5, v16;
	v54 =	vpop (erf);
	v25 =	vbroadcast v25, $0xF;
	(erf) = vrcp.f32 v14  }
0x14b: {  	v56 =	vpop (erf);
	v14 =	vbroadcast v53, $0xF;
	(erf) = vrcp.f32 v21  }
0x14c: {  	v40 =	vpop (erf);
	v21 =	vmul.f32 $1.442695020e+00, v55;
	(erf) = vrcp.f32 v25  }
0x14d: {  	v25 =	vsub.f32 v12, v14;
	v57, _, _ =	vpop (xrf2);
	(erf) = vpow2.f32 v52  }
0x14e: {  	(xrf2) =	vadd.scan.msk.f32 $0xffff, v26;
	v58 =	vpop (erf);
	(erf) = vpow2.f32 v21;
	v21 =	vbroadcast v57, $0xF  }
0x14f: {  	(xrf2) =	vadd.scan.msk.f32 $0xffff, v56;
	v59 =	vpop (erf);
	v25 =	vmul.f32 $1.442695020e+00, v25  }
0x150: {  	v41 =	vpop (erf)  }
0x151: {  	v42 =	vpop (erf);
	(erf) = vrcp.f32 v21  }
0x152: {  	(xrf2) =	vadd.scan.msk.f32 $0xffff, v42;
	(erf) = vpow2.f32 v25;
	v21 =	vpop (erf)  }
0x153: {  	v25 =	vpop (erf)  }
0x154: {  	v43 =	vpop (erf)  }
0x155: {  	v44 =	vpop (erf)  }
0x156: {  	v9 =	vmul.f32 v29, v9;
	(xrf2) =	vadd.scan.msk.f32 $0xffff, v59;
	v45 =	vpop (erf)  }
0x157: {  	(xrf2) =	vadd.scan.msk.f32 $0xffff, v21;
	v46 =	vpop (erf)  }
0x158: {  	v9 =	vadd.f32 v9, v27;
	v27, _, _ =	vpop (xrf2);
	(xrf2) =	vadd.scan.msk.f32 $0xffff, v46  }
0x159: {  	v48, _, _ =	vpop (xrf2)  }
0x15a: {  	v29 =	vpop (erf)  }
0x15b: {  	v6 =	vmul.f32 v62, v6;
	v9 =	vadd.f32 v23, v9;
	(xrf2) =	vadd.scan.msk.f32 $0xffff, v45;
	v47 =	vpop (erf)  }
0x15c: {  	v23, _, _ =	vpop (xrf2);
	(xrf2) =	vadd.scan.msk.f32 $0xffff, v47  }
0x15d: {  	v6 =	vadd.f32 v6, v9;
	v9 =	vbroadcast v23, $0xF;
	_ =	sdelay $0x1  }
0x15e: {  	v2 =	vmul.f32 v28, v2  }
0x15f: {  	v10 =	vmul.f32 v38, v10;
	v28 =	vbroadcast v48, $0xF;
	v23, _, _ =	vpop (xrf2)  }
0x160: {  	v2 =	vadd.f32 v2, v6;
	v6 =	vbroadcast v23, $0xF;
	(erf) = vrcp.f32 v9;
	v9, _, _ =	vpop (xrf2)  }
0x161: {  	(erf) = vrcp.f32 v28;
	v9 =	vbroadcast v9, $0xF;
	v23, _, _ =	vpop (xrf2)  }
0x162: {  	v2 =	vadd.f32 v20, v2;
	(erf) = vrcp.f32 v6;
	v6 =	vbroadcast v23, $0xF  }
0x163: {  	(erf) = vrcp.f32 v9;
	v9 =	vbroadcast v27, $0xF  }
0x164: {  	v2 =	vadd.f32 v10, v2;
	v17 =	vmul.f32 v54, v17;
	v20, _, _ =	vpop (xrf2);
	(erf) = vrcp.f32 v6  }
0x165: {  	v6 =	vbroadcast v20, $0xF;
	v10, _, _ =	vpop (xrf2);
	(erf) = vrcp.f32 v9  }
0x166: {  	v2 =	vadd.f32 v17, v2;
	v9 =	vbroadcast v10, $0xF;
	v10 =	vmul.f32 v58, v13;
	_ =	sdelay $0x1  }
0x167: {  	(erf) = vrcp.f32 v6;
	v6 =	vmul.f32 v25, v35;
	v2 =	vadd.f32 v10, v2  }
0x168: {  	(erf) = vrcp.f32 v9  }
0x169: {  	v7 =	vmul.f32 v40, v7;
	v2 =	vadd.f32 v6, v2  }
0x16a: {  	v9 =	vpop (erf)  }
0x16b: {  	v13 =	vmul.f32 v44, v63;
	v10 =	vpop (erf);
	v2 =	vadd.f32 v7, v2  }
0x16c: {  	v6 =	vpop (erf)  }
0x16d: {  	v4 =	vmul.f32 v43, v4;
	v7 =	vpop (erf);
	v2 =	vadd.f32 v13, v2  }
0x16e: {  	v17 =	vpop (erf)  }
0x16f: {  	v18 =	vadd.f32 v22, v18;
	v11 =	vmul.f32 v41, v11;
	v13 =	vpop (erf);
	v2 =	vadd.f32 v4, v2  }
0x170: {  	v22 =	vmctz.xlane vm1;
	vm1 =	veq.s32 v24, v0;
	vm3 =	veq.f32 v5, v16;
	v20 =	vpop (erf)  }
0x171: {  	[tilespmem:s10], [sflag:$0x2] =	stream.linear.gather [hbm4b:s6+s2], $0x4000, $0x38;
	v24 =	vsel vm1, $0x3F800000, v1;
	v25 =	vmul.f32 v29, v31;
	v4 =	vpop (erf);
	v2 =	vadd.f32 v11, v2;
	[tilespmem:$0x8100] =	vst v63  }
0x172: {  	v16 =	vmctz.xlane vm3;
	v23 =	vmctz.xlane vm2;
	_ =	swait.ge [sflag:s11], $0x4000;
	v11 =	vadd.f32 v24, v18  }
0x173: {  	vm1 =	veq.s32 v22, v0;
	v5 =	vmul.f32 v9, v42;
	[sflag:s11] =	ssyncset.done $0x0;
	v2 =	vadd.f32 v25, v2  }
0x174: {  	s17 =	simm.s32 $0x200;
	vm3 =	veq.f32 v8, v30;
	vm2 =	veq.s32 v23, v0;
	[sflag:s11] =	ssyncadd.s32 $0xFFFFC000;
	v8 =	vadd.f32 v15, v11  }
0x175: {  	v6 =	vmul.f32 v6, v59;
	v11 =	vsel vm2, $0x3F800000, v1;
	v9 =	vld [tilespmem:s17+$0x80];
	v2 =	vadd.f32 v5, v2  }
0x176: {  	v15 =	vmctz.xlane vm3;
	vm2 =	veq.s32 v16, v0;
	v8 =	vadd.f32 v11, v8  }
0x177: {  	v5 =	vld [tilespmem:s17+$0xFFFFFF80];
	v11 =	vsel vm2, $0x3F800000, v1;
	v2 =	vadd.f32 v6, v2;
	v6 =	vmul.f32 v17, v46  }
0x178: {  	v16 =	vld [tilespmem:s17+$0xFFFFFE00];
	v17 =	vsel vm1, $0x3F800000, v1;
	vm1 =	veq.f32 v3, v19;
	v3 =	vadd.f32 v11, v8  }
0x179: {  	v10 =	vmul.f32 v10, v56;
	vm2 =	veq.s32 v15, v0;
	v2 =	vadd.f32 v6, v2  }
0x17a: {  	v8 =	vld [tilespmem:s17+$0xFFFFFE80];
	v11 =	vmctz.xlane vm1;
	vm1 =	veq.f32 v12, v14;
	(xrf0) =	vmax.scan.msk.f32 $0xffff, v9;
	v3 =	vadd.f32 v17, v3  }
0x17b: {  	v12 =	vmul.f32 v20, v45;
	v6 =	vsel vm2, $0x3F800000, v1;
	v2 =	vadd.f32 v10, v2  }
0x17c: {  	v14 =	vsel vm0, $0x3F800000, v1;
	(xrf0) =	vmax.scan.msk.f32 $0xffff, v5;
	v3 =	vadd.f32 v6, v3;
	v6 =	vmctz.xlane vm1  }
0x17d: {  	v15 =	vld [tilespmem:s17+$0x100];
	vm0 =	veq.s32 v11, v0;
	v11 =	vmul.f32 v13, v26;
	(xrf0) =	vmax.scan.msk.f32 $0xffff, v16;
	v2 =	vadd.f32 v12, v2  }
0x17e: {  	v10 =	vld [tilespmem:s17+$0xFFFFFF00]  }
0x17f: {  	v7 =	vmul.f32 v7, v21;
	(xrf0) =	vmax.scan.msk.f32 $0xffff, v8;
	v12 =	vsel vm0, $0x3F800000, v1;
	v2 =	vadd.f32 v11, v2  }
0x180: {  	v3 =	vadd.f32 v14, v3;
	vm0 =	veq.s32 v6, v0;
	v6, _, _ =	vpop (xrf0)  }
0x181: {  	v6 =	vbroadcast v6, $0xF;
	v2 =	vadd.f32 v7, v2  }
0x182: {  	v4 =	vmul.f32 v4, v47;
	(xrf0) =	vmax.scan.msk.f32 $0xffff, v15;
	v3 =	vadd.f32 v12, v3;
	v12, _, _ =	vpop (xrf0)  }
0x183: {  	v13 =	vld [tilespmem:s17+$0x0];
	v11 =	vsel vm0, $0x3F800000, v1;
	(xrf0) =	vmax.scan.msk.f32 $0xffff, v10;
	v7, _, _ =	vpop (xrf0);
	v12 =	vbroadcast v12, $0xF;
	v14 =	vsub.f32 v9, v6  }
0x184: {  	v3 =	vadd.f32 v11, v3;
	v7 =	vbroadcast v7, $0xF  }
0x185: {  	v11 =	vadd.f32 v4, v2;
	v4 =	vmul.f32 $1.442695020e+00, v14;
	v14 =	vsub.f32 v5, v12;
	v2, _, _ =	vpop (xrf0)  }
0x186: {  	vm1 =	veq.f32 v9, v6;
	v2 =	vbroadcast v2, $0xF  }
0x187: {  	s31 =	simm.s32 $0x600;
	v17 =	vld [tilespmem:s17+$0x180];
	vm0 =	veq.f32 v16, v7;
	v9 =	vmul.f32 $1.442695020e+00, v14;
	(erf) = vpow2.f32 v4  }
0x188: {  	v18 =	vsub.f32 v16, v7;
	v7 =	vld [tilespmem:s31+$0x80];
	(xrf0) =	vmax.scan.msk.f32 $0xffff, v13;
	v6, _, _ =	vpop (xrf0);
	v4 =	vmctz.xlane vm0;
	v14 =	vmctz.xlane vm1  }
0x189: {  	v16, _, _ =	vpop (xrf0);
	v6 =	vbroadcast v6, $0xF;
	v20 =	vsub.f32 v8, v2;
	vm0 =	veq.f32 v8, v2  }
0x18a: {  	v16 =	vbroadcast v16, $0xF;
	v2 =	vmctz.xlane vm0  }
0x18b: {  	v19 =	vld [tilespmem:s31+$0xFFFFFF80];
	(erf) = vpow2.f32 v9;
	vm1 =	veq.s32 v4, v0;
	v4 =	vmul.f32 $1.442695020e+00, v20  }
0x18c: {  	v21 =	vld [tilespmem:s31+$0xFFFFFE00];
	(xrf0) =	vmax.scan.msk.f32 $0xffff, v17;
	v9 =	vmul.f32 $1.442695020e+00, v18;
	v8 =	vsel vm1, $0x3F800000, v1;
	vm1 =	veq.f32 v10, v16  }
0x18d: {  	(xrf0) =	vmax.scan.msk.f32 $0xffff, v7;
	v8 =	vadd.f32 v8, v3;
	vm0 =	veq.s32 v2, v0;
	(erf) = vpow2.f32 v4  }
0x18e: {  	v4 =	vmctz.xlane vm1;
	vm1 =	veq.f32 v5, v12;
	v2, _, _ =	vpop (xrf0);
	(erf) = vpow2.f32 v9  }
0x18f: {  	v18 =	vld [tilespmem:s31+$0xFFFFFE80];
	v5 =	vmctz.xlane vm1;
	v9 =	vbroadcast v2, $0xF;
	v2 =	vsel vm0, $0x3F800000, v1  }
0x190: {  	(xrf0) =	vmax.scan.msk.f32 $0xffff, v19;
	vm0 =	veq.s32 v4, v0;
	v4 =	vsub.f32 v15, v6;
	v8 =	vadd.f32 v2, v8  }
0x191: {  	v10 =	vsub.f32 v10, v16;
	(xrf0) =	vmax.scan.msk.f32 $0xffff, v21;
	v12 =	vsel vm0, $0x3F800000, v1;
	vm0 =	veq.s32 v5, v0  }
0x192: {  	v20, _, _ =	vpop (xrf0);
	vm1 =	veq.f32 v13, v9;
	v4 =	vmul.f32 $1.442695020e+00, v4;
	v8 =	vadd.f32 v12, v8  }
0x193: {  	v23, _, _ =	vpop (xrf0);
	v22 =	vmctz.xlane vm1;
	vm1 =	veq.s32 v14, v0;
	v14 =	vsel vm0, $0x3F800000, v1  }
0x194: {  	v3 =	vld [tilespmem:s31+$0x100];
	(xrf0) =	vmax.scan.msk.f32 $0xffff, v18;
	v16 =	vbroadcast v20, $0xF;
	v9 =	vsub.f32 v13, v9;
	v2 =	vpop (erf);
	v8 =	vadd.f32 v14, v8  }
0x195: {  	v10 =	vmul.f32 $1.442695020e+00, v10;
	v12 =	vpop (erf);
	(erf) = vpow2.f32 v4;
	(xrf2) =	vadd.scan.msk.f32 $0xffff, v2;
	vm0 =	veq.s32 v22, v0  }
0x196: {  	vm2 =	veq.f32 v17, v16;
	v4 =	vmul.f32 $1.442695020e+00, v9;
	v14, _, _ =	vpop (xrf0);
	v13 =	vsel vm0, $0x3F800000, v1  }
0x197: {  	v25 =	vmctz.xlane vm2;
	(xrf2) =	vadd.scan.msk.f32 $0xffff, v12;
	v24, _, _ =	vpop (xrf0)  }
0x198: {  	v5 =	vld [tilespmem:s31+$0xFFFFFF00];
	vm0 =	veq.f32 v15, v6;
	(erf) = vpow2.f32 v4;
	v6 =	vadd.f32 v13, v8;
	v8 =	vpop (erf)  }
0x199: {  	v22 =	vsel vm1, $0x3F800000, v1;
	(xrf0) =	vmax.scan.msk.f32 $0xffff, v3;
	v9 =	vmctz.xlane vm0;
	(erf) = vpow2.f32 v10;
	v13 =	vpop (erf)  }
0x19a: {  	v15 =	vbroadcast v24, $0xF;
	v10, _, _ =	vpop (xrf0);
	v20 =	vadd.f32 v22, v6;
	v6 =	vbroadcast v23, $0xF;
	(xrf2) =	vadd.scan.msk.f32 $0xffff, v13  }
0x19b: {  	v14 =	vbroadcast v14, $0xF;
	vm0 =	veq.s32 v9, v0;
	v22 =	vld [tilespmem:s31+$0x0];
	v10 =	vbroadcast v10, $0xF  }
0x19c: {  	v9 =	vsub.f32 v21, v15;
	vm1 =	veq.f32 v21, v15;
	v15 =	vsub.f32 v7, v6  }
0x19d: {  	(xrf0) =	vmax.scan.msk.f32 $0xffff, v5;
	v4 =	vmctz.xlane vm1;
	vm1 =	veq.f32 v7, v6;
	v6 =	vsub.f32 v17, v16  }
0x19e: {  	v23 =	vld [tilespmem:s31+$0x180];
	v17 =	vsel vm0, $0x3F800000, v1;
	vm0 =	veq.f32 v19, v14;
	v7 =	vmul.f32 $1.442695020e+00, v15;
	v16 =	vpop (erf)  }
0x19f: {  	s18 =	simm.s32 $0xA00;
	v21 =	vmul.f32 $1.442695020e+00, v9;
	(xrf2) =	vadd.scan.msk.f32 $0xffff, v8;
	v9 =	vsub.f32 v19, v14;
	v29 =	vmctz.xlane vm0;
	v19, _, _ =	vpop (xrf2)  }
0x1a0: {  	v28 =	vld [tilespmem:s18+$0x80];
	vm3 =	veq.s32 v4, v0;
	v4 =	vmctz.xlane vm1;
	(xrf0) =	vmax.scan.msk.f32 $0xffff, v22;
	v15, _, _ =	vpop (xrf0);
	(erf) = vpow2.f32 v7  }
0x1a1: {  	vm1 =	veq.f32 v18, v10;
	v7 =	vmul.f32 $1.442695020e+00, v9;
	v9 =	vmul.f32 $1.442695020e+00, v6;
	v14, _, _ =	vpop (xrf2)  }
0x1a2: {  	v17 =	vadd.f32 v17, v20;
	v27 =	vmctz.xlane vm1;
	vm1 =	veq.s32 v25, v0;
	(xrf2) =	vadd.scan.msk.f32 $0xffff, v16;
	v6 =	vpop (erf)  }
0x1a3: {  	v26 =	vsel vm3, $0x3F800000, v1;
	vm0 =	veq.s32 v4, v0;
	v20 =	vsel vm1, $0x3F800000, v1;
	v24, _, _ =	vpop (xrf0);
	(xrf0) =	vmax.scan.msk.f32 $0xffff, v23  }
0x1a4: {  	v60 =	vld [tilespmem:s18+$0xFFFFFF80];
	vm1 =	veq.s32 v29, v0;
	v15 =	vbroadcast v15, $0xF;
	vm2 =	veq.s32 v27, v0;
	v30, _, _ =	vpop (xrf2)  }
0x1a5: {  	v17 =	vadd.f32 v20, v17;
	(erf) = vpow2.f32 v9;
	(xrf0) =	vmax.scan.msk.f32 $0xffff, v28;
	v9 =	vpop (erf);
	v4 =	vbroadcast v30, $0xF  }
0x1a6: {  	v20 =	vbroadcast v14, $0xF;
	v24 =	vbroadcast v24, $0xF;
	v25, _, _ =	vpop (xrf0);
	v30 =	vsub.f32 v3, v15  }
0x1a7: {  	v27 =	vsel vm1, $0x3F800000, v1;
	(xrf2) =	vadd.scan.msk.f32 $0xffff, v9;
	(erf) = vrcp.f32 v4;
	v4 =	vbroadcast v25, $0xF  }
0x1a8: {  	v17 =	vadd.f32 v26, v17;
	vm1 =	veq.f32 v5, v24;
	v25 =	vld [tilespmem:s18+$0xFFFFFE00];
	(erf) = vpow2.f32 v7  }
0x1a9: {  	(xrf0) =	vmax.scan.msk.f32 $0xffff, v60;
	v31, _, _ =	vpop (xrf0);
	v7 =	vsub.f32 v22, v4;
	vm3 =	veq.f32 v22, v4;
	v22 =	vmctz.xlane vm1  }
0x1aa: {  	v10 =	vsub.f32 v18, v10;
	v26 =	vsel vm2, $0x3F800000, v1;
	v29 =	vmul.f32 $1.442695020e+00, v30;
	v30, _, _ =	vpop (xrf2)  }
0x1ab: {  	v14 =	vld [tilespmem:s18+$0xFFFFFE80];
	v17 =	vadd.f32 v26, v17;
	v61, _, _ =	vpop (xrf0);
	(xrf2) =	vadd.scan.msk.f32 $0xffff, v6;
	v18 =	vbroadcast v30, $0xF;
	vm1 =	veq.s32 v22, v0  }
0x1ac: {  	v30 =	vmctz.xlane vm3;
	v4 =	vpop (erf);
	(erf) = vrcp.f32 v20;
	v22 =	vsel vm1, $0x3F800000, v1  }
0x1ad: {  	v20, _, _ =	vpop (xrf2);
	v26 =	vmul.f32 $1.442695020e+00, v7;
	v7 =	vmul.f32 $1.442695020e+00, v10;
	(xrf0) =	vmax.scan.msk.f32 $0xffff, v25;
	v17 =	vadd.f32 v22, v17  }
0x1ae: {  	v10 =	vpop (erf);
	(erf) = vrcp.f32 v18;
	v18 =	vsel vm0, $0x3F800000, v1;
	v20 =	vbroadcast v20, $0xF  }
0x1af: {  	vm0 =	veq.f32 v3, v15;
	v3 =	vld [tilespmem:s18+$0x100];
	vm1 =	veq.s32 v30, v0;
	v30 =	vbroadcast v31, $0xF;
	v31, _, _ =	vpop (xrf0);
	(xrf2) =	vadd.scan.msk.f32 $0xffff, v10  }
0x1b0: {  	(erf) = vpow2.f32 v7;
	(xrf0) =	vmax.scan.msk.f32 $0xffff, v14;
	v15 =	vadd.f32 v27, v17;
	v27 =	vsel vm1, $0x3F800000, v1;
	v22 =	vpop (erf)  }
0x1b1: {  	(erf) = vrcp.f32 v20;
	v17, _, _ =	vpop (xrf2)  }
0x1b2: {  	v19 =	vbroadcast v19, $0xF;
	(erf) = vpow2.f32 v21;
	v7 =	vpop (erf)  }
0x1b3: {  	v20 =	vmctz.xlane vm0;
	v15 =	vadd.f32 v27, v15;
	(erf) = vpow2.f32 v29;
	v27, _, _ =	vpop (xrf0)  }
0x1b4: {  	v24 =	vsub.f32 v5, v24;
	v5 =	vld [tilespmem:s18+$0xFFFFFF00];
	(xrf0) =	vmax.scan.msk.f32 $0xffff, v3;
	v17 =	vbroadcast v17, $0xF;
	v21 =	vbroadcast v27, $0xF  }
0x1b5: {  	v18 =	vadd.f32 v18, v15;
	v27 =	vmul.f32 v22, v13;
	v13, _, _ =	vpop (xrf2);
	v15 =	vbroadcast v61, $0xF  }
0x1b6: {  	v32 =	vsub.f32 v23, v30;
	vm1 =	veq.f32 v23, v30;
	vm0 =	veq.s32 v20, v0;
	v62, _, _ =	vpop (xrf0)  }
0x1b7: {  	(xrf2) =	vadd.scan.msk.f32 $0xffff, v4;
	v29 =	vpop (erf);
	(erf) = vrcp.f32 v17;
	vm2 =	veq.f32 v25, v21;
	v22 =	vsub.f32 v28, v15  }
0x1b8: {  	v17 =	vsub.f32 v25, v21;
	v21 =	vpop (erf);
	(erf) = vrcp.f32 v19;
	v19 =	vmctz.xlane vm2  }
0x1b9: {  	(xrf0) =	vmax.scan.msk.f32 $0xffff, v5;
	v20 =	vbroadcast v13, $0xF;
	vm2 =	veq.f32 v28, v15;
	v30, _, _ =	vpop (xrf2);
	v33 =	vmul.f32 $1.442695020e+00, v22  }
0x1ba: {  	v28, _, _ =	vpop (xrf0);
	v23 =	vmul.f32 v21, v8;
	v25 =	vmctz.xlane vm2  }
0x1bb: {  	v22 =	vsel vm0, $0x3F800000, v1;
	v13 =	vpop (erf);
	(erf) = vrcp.f32 v20;
	v21 =	vmul.f32 $1.442695020e+00, v17  }
0x1bc: {  	(xrf2) =	vadd.scan.msk.f32 $0xffff, v7;
	v8 =	vld [tilespmem:s18+$0x0];
	vm3 =	veq.s32 v19, v0;
	(erf) = vpow2.f32 v26;
	vm0 =	veq.s32 v25, v0;
	v19 =	vpop (erf)  }
0x1bd: {  	v25 =	vmul.f32 $1.442695020e+00, v24;
	v20 =	vmul.f32 v19, v16;
	v17 =	vpop (erf);
	v16 =	vadd.f32 v27, v11  }
0x1be: {  	v26 =	vbroadcast v31, $0xF;
	v31 =	vbroadcast v62, $0xF;
	v11 =	vpop (erf)  }
0x1bf: {  	v15 =	vsel vm3, $0x3F800000, v1;
	(xrf2) =	vadd.scan.msk.f32 $0xffff, v17;
	v27 =	vadd.f32 v23, v16;
	v23 =	vmul.f32 v29, v12;
	v12, _, _ =	vpop (xrf0)  }
0x1c0: {  	v24 =	vmctz.xlane vm1;
	v63 =	vsub.f32 v60, v26;
	v29 =	vpop (erf);
	v16 =	vbroadcast v12, $0xF;
	v12 =	vld [tilespmem:s18+$0x180]  }
0x1c1: {  	vm1 =	veq.f32 v60, v26;
	v26 =	vbroadcast v30, $0xF;
	(erf) = vpow2.f32 v25;
	(xrf0) =	vmax.scan.msk.f32 $0xffff, v8;
	v25, _, _ =	vpop (xrf2)  }
0x1c2: {  	s17 =	simm.s32 $0x10;
	vm2 =	veq.f32 v14, v31;
	v19 =	vbroadcast v28, $0xF;
	v34 =	vmul.f32 $1.442695020e+00, v63;
	(xrf2) =	vadd.scan.msk.f32 $0xffff, v13;
	s18 =	simm.s32 $0xE00;
	v28 =	vpop (erf)  }
.LBB2_6:
0x1c3: {  	v35 =	vmctz.xlane vm2  }
0x1c4: {  	v30 =	vld [tilespmem:s18+$0xFFFFFE00];
	s17 =	sadd.s32 $0x8, s17;
	v36 =	vsub.f32 v3, v19;
	v18 =	vadd.f32 v22, v18;
	v37 =	vpop (erf);
	v40 =	vmctz.xlane vm1  }
0x1c5: {  	vm1 =	veq.s32 v24, v0;
	v39 =	vmovc v5;
	v24 =	vmovc v12;
	v12 =	vmul.f32 $1.442695020e+00, v32;
	v22 =	vld [tilespmem:s18+$0x80];
	p0 =	slt.u32 s17, $0x78;
	(erf) = vrcp.f32 v26  }
0x1c6: {  	v9 =	vmul.f32 v29, v9;
	v32 =	vsel vm1, $0x3F800000, v1;
	v5 =	vld [tilespmem:s18+$0xFFFFFF00];
	(erf) = vpow2.f32 v33;
	v33, _, _ =	vpop (xrf2)  }
0x1c7: {  	v28 =	vmul.f32 v28, v2;
	vm1 =	veq.s32 v40, v0;
	v36 =	vmul.f32 $1.442695020e+00, v36;
	v26 =	vld [tilespmem:s18+$0xFFFFFF80];
	v38 =	vpop (erf);
	(xrf2) =	vadd.scan.msk.f32 $0xffff, v11  }
0x1c8: {  	v37 =	vmul.f32 v37, v6;
	vm2 =	veq.s32 v35, v0;
	v29 =	vsel vm1, $0x3F800000, v1;
	v35, _, _ =	vpop (xrf0)  }
0x1c9: {  	v18 =	vadd.f32 v32, v18;
	v27 =	vadd.f32 v9, v27;
	v35 =	vbroadcast v35, $0xF;
	v6, _, _ =	vpop (xrf2)  }
0x1ca: {  	vm1 =	veq.f32 v39, v16;
	v32 =	vld [tilespmem:s18+$0xFFFFFE80];
	(xrf0) =	vmax.scan.msk.f32 $0xffff, v24;
	v40 =	vbroadcast v6, $0xF;
	(erf) = vpow2.f32 v12;
	v6 =	vmovc v38  }
0x1cb: {  	v41 =	vsel vm0, $0x3F800000, v1;
	v38 =	vsub.f32 v8, v35;
	vm3 =	veq.f32 v8, v35;
	v8 =	vld [tilespmem:s18+$0x0];
	v9 =	vpop (erf)  }
0x1cc: {  	v2 =	vmovc v4;
	vm0 =	veq.f32 v3, v19;
	v35 =	vmctz.xlane vm1;
	(erf) = vrcp.f32 v40;
	(xrf2) =	vadd.scan.msk.f32 $0xffff, v9  }
0x1cd: {  	v33 =	vbroadcast v33, $0xF;
	v40 =	vsel vm2, $0x3F800000, v1;
	v12 =	vld [tilespmem:s18+$0x180];
	v38 =	vmul.f32 $1.442695020e+00, v38;
	v42, _, _ =	vpop (xrf2)  }
0x1ce: {  	v23 =	vadd.f32 v23, v27;
	v43 =	vmctz.xlane vm3;
	(xrf0) =	vmax.scan.msk.f32 $0xffff, v22;
	(erf) = vpow2.f32 v34;
	v27 =	vpop (erf)  }
0x1cf: {  	v19 =	vbroadcast v42, $0xF;
	v42 =	vadd.f32 v15, v18;
	v4 =	vpop (erf);
	v27 =	vmul.f32 v27, v10  }
0x1d0: {  	vm1 =	veq.s32 v43, v0;
	v18 =	vadd.f32 v37, v23;
	v37 =	vsub.f32 v14, v31;
	v3 =	vld [tilespmem:s18+$0x100];
	v15, _, _ =	vpop (xrf0)  }
0x1d1: {  	v23 =	vsel vm1, $0x3F800000, v1;
	vm1 =	veq.s32 v35, v0;
	(erf) = vrcp.f32 v33;
	(xrf2) =	vadd.scan.msk.f32 $0xffff, v6;
	v31, _, _ =	vpop (xrf2)  }
0x1d2: {  	v18 =	vadd.f32 v28, v18;
	v28 =	vmul.f32 $1.442695020e+00, v37;
	v33 =	vadd.f32 v40, v42;
	(xrf0) =	vmax.scan.msk.f32 $0xffff, v26  }
0x1d3: {  	v14 =	vmov v32;
	v34 =	vsel vm1, $0x3F800000, v1;
	(xrf0) =	vmax.scan.msk.f32 $0xffff, v30;
	v10 =	vpop (erf)  }
0x1d4: {  	(erf) = vrcp.f32 v19;
	v19 =	vbroadcast v31, $0xF  }
0x1d5: {  	v18 =	vadd.f32 v20, v18;
	v33 =	vadd.f32 v34, v33;
	v32, _, _ =	vpop (xrf0)  }
0x1d6: {  	(erf) = vpow2.f32 v28;
	v20 =	vpop (erf);
	(xrf2) =	vadd.scan.msk.f32 $0xffff, v10;
	v28 =	vmov v7  }
0x1d7: {  	v15 =	vbroadcast v15, $0xF;
	v27 =	vadd.f32 v27, v18;
	v29 =	vadd.f32 v29, v33;
	(xrf0) =	vmax.scan.msk.f32 $0xffff, v14;
	v31, _, _ =	vpop (xrf2)  }
0x1d8: {  	v7 =	vpop (erf);
	(erf) = vrcp.f32 v19;
	v19 =	vmov v13  }
0x1d9: {  	v33 =	vadd.f32 v23, v29;
	v23 =	vmctz.xlane vm0;
	v29 =	vbroadcast v31, $0xF;
	v34, _, _ =	vpop (xrf0)  }
0x1da: {  	v16 =	vsub.f32 v39, v16;
	v18, _, _ =	vpop (xrf0);
	(erf) = vpow2.f32 v21;
	v21 =	vbroadcast v25, $0xF  }
0x1db: {  	v37 =	vbroadcast v18, $0xF;
	v18 =	vadd.f32 v41, v33;
	(erf) = vpow2.f32 v36;
	v31 =	vpop (erf)  }
0x1dc: {  	vm0 =	veq.s32 v23, v0;
	v23 =	vmul.f32 v20, v17;
	(xrf0) =	vmax.scan.msk.f32 $0xffff, v3;
	(erf) = vrcp.f32 v29;
	v13, _, _ =	vpop (xrf2)  }
0x1dd: {  	v20 =	vbroadcast v32, $0xF;
	v17 =	vsub.f32 v30, v37;
	v35, _, _ =	vpop (xrf0);
	v29 =	vbroadcast v13, $0xF  }
0x1de: {  	vm1 =	veq.f32 v24, v15;
	vm2 =	veq.f32 v30, v37;
	(xrf2) =	vadd.scan.msk.f32 $0xffff, v4;
	v25 =	vpop (erf);
	(erf) = vrcp.f32 v21  }
0x1df: {  	v30 =	vsub.f32 v22, v20;
	v21 =	vmctz.xlane vm2;
	vm2 =	veq.f32 v22, v20;
	v13 =	vpop (erf)  }
0x1e0: {  	v32 =	vsub.f32 v24, v15;
	v24 =	vmul.f32 v25, v19;
	(xrf0) =	vmax.scan.msk.f32 $0xffff, v5;
	(erf) = vrcp.f32 v29;
	v36, _, _ =	vpop (xrf2)  }
0x1e1: {  	v22 =	vsel vm0, $0x3F800000, v1;
	v33 =	vmul.f32 $1.442695020e+00, v30;
	vm3 =	veq.s32 v21, v0;
	(xrf2) =	vadd.scan.msk.f32 $0xffff, v7;
	v19 =	vpop (erf)  }
0x1e2: {  	v25 =	vmctz.xlane vm2;
	v15 =	vsel vm3, $0x3F800000, v1;
	v29, _, _ =	vpop (xrf0);
	v20 =	vmul.f32 v19, v11  }
0x1e3: {  	v23 =	vadd.f32 v23, v27;
	v21 =	vmul.f32 $1.442695020e+00, v17;
	v17 =	vpop (erf);
	(erf) = vpow2.f32 v38  }
.Ltmp2:
0x1e4: {  	v30 =	vbroadcast v34, $0xF;
	vm0 =	veq.s32 v25, v0;
	v25 =	vmul.f32 $1.442695020e+00, v16;
	(xrf2) =	vadd.scan.msk.f32 $0xffff, v17;
	v11 =	vpop (erf);
	(pc) =	sbr.rel @p0 .LBB2_6-.Ltmp2, $4  }
0x1e5: {  	v27 =	vadd.f32 v24, v23;
	v23 =	vmul.f32 v31, v28;
	v19 =	vbroadcast v29, $0xF;
	v29 =	vpop (erf)  }
0x1e6: {  	v31 =	vbroadcast v35, $0xF;
	v34 =	vsub.f32 v26, v30;
	v24 =	vmctz.xlane vm1;
	v16, _, _ =	vpop (xrf0)  }
0x1e7: {  	vm1 =	veq.f32 v26, v30;
	v16 =	vbroadcast v16, $0xF;
	(xrf0) =	vmax.scan.msk.f32 $0xffff, v8;
	(erf) = vpow2.f32 v25;
	v28 =	vpop (erf)  }
0x1e8: {  	s18 =	sadd.s32 $0x400, s18;
	v26 =	vbroadcast v36, $0xF;
	vm2 =	veq.f32 v14, v31;
	v34 =	vmul.f32 $1.442695020e+00, v34;
	(xrf2) =	vadd.scan.msk.f32 $0xffff, v13;
	v25, _, _ =	vpop (xrf2)  }
0x1e9: {  	_ =	sdelay $0x1  }
0x1ea: {  	(erf) = vrcp.f32 v26;
	v26 =	vmul.f32 $1.442695020e+00, v32  }
0x1eb: {  	(erf) = vpow2.f32 v33  }
0x1ec: {  	v62 =	vpop (erf);
	(erf) = vpow2.f32 v26  }
0x1ed: {  	(xrf2) =	vadd.scan.msk.f32 $0xffff, v11;
	v63 =	vpop (erf)  }
0x1ee: {  	v30, _, _ =	vpop (xrf0)  }
0x1ef: {  	v35 =	vpop (erf)  }
0x1f0: {  	v26, _, _ =	vpop (xrf2);
	(xrf2) =	vadd.scan.msk.f32 $0xffff, v35  }
0x1f1: {  	v14 =	vsub.f32 v14, v31;
	v36, _, _ =	vpop (xrf2)  }
0x1f2: {  	v36 =	vbroadcast v36, $0xF;
	v37, _, _ =	vpop (xrf2);
	(xrf2) =	vadd.scan.msk.f32 $0xffff, v63  }
0x1f3: {  	v14 =	vmul.f32 $1.442695020e+00, v14;
	v38 =	vpop (erf)  }
0x1f4: {  	v47 =	vbroadcast v26, $0xF;
	(erf) = vrcp.f32 v36;
	v26 =	vpop (erf)  }
0x1f5: {  	(xrf0) =	vmax.scan.msk.f32 $0xffff, v12;
	v30 =	vbroadcast v30, $0xF;
	(erf) = vpow2.f32 v34;
	v31 =	vpop (erf)  }
0x1f6: {  	v48 =	vbroadcast v37, $0xF;
	(erf) = vrcp.f32 v47;
	(xrf2) =	vadd.scan.msk.f32 $0xffff, v31  }
0x1f7: {  	v49 =	vsub.f32 v3, v19;
	v50, _, _ =	vpop (xrf2)  }
0x1f8: {  	v39 =	vsub.f32 v8, v30;
	v51 =	vbroadcast v50, $0xF;
	(erf) = vrcp.f32 v48  }
0x1f9: {  	v36 =	vmul.f32 $1.442695020e+00, v49;
	(erf) = vpow2.f32 v14  }
0x1fa: {  	v52 =	vmul.f32 $1.442695020e+00, v39;
	(erf) = vrcp.f32 v51;
	v14, _, _ =	vpop (xrf2)  }
0x1fb: {  	v53, _, _ =	vpop (xrf0);
	(erf) = vpow2.f32 v21;
	v14 =	vbroadcast v14, $0xF  }
0x1fc: {  	v21 =	vbroadcast v25, $0xF;
	(erf) = vpow2.f32 v36;
	v25, _, _ =	vpop (xrf2)  }
0x1fd: {  	v55 =	vsub.f32 v5, v16;
	v54 =	vpop (erf);
	v25 =	vbroadcast v25, $0xF;
	(erf) = vrcp.f32 v14  }
0x1fe: {  	v56 =	vpop (erf);
	v14 =	vbroadcast v53, $0xF;
	(erf) = vrcp.f32 v21  }
0x1ff: {  	v40 =	vpop (erf);
	v21 =	vmul.f32 $1.442695020e+00, v55;
	(erf) = vrcp.f32 v25  }
0x200: {  	v25 =	vsub.f32 v12, v14;
	v57, _, _ =	vpop (xrf2);
	(erf) = vpow2.f32 v52  }
0x201: {  	(xrf2) =	vadd.scan.msk.f32 $0xffff, v26;
	v58 =	vpop (erf);
	(erf) = vpow2.f32 v21;
	v21 =	vbroadcast v57, $0xF  }
0x202: {  	(xrf2) =	vadd.scan.msk.f32 $0xffff, v56;
	v59 =	vpop (erf);
	v25 =	vmul.f32 $1.442695020e+00, v25  }
0x203: {  	v41 =	vpop (erf)  }
0x204: {  	v42 =	vpop (erf);
	(erf) = vrcp.f32 v21  }
0x205: {  	(xrf2) =	vadd.scan.msk.f32 $0xffff, v42;
	(erf) = vpow2.f32 v25;
	v21 =	vpop (erf)  }
0x206: {  	v25 =	vpop (erf)  }
0x207: {  	v43 =	vpop (erf)  }
0x208: {  	v44 =	vpop (erf)  }
0x209: {  	v9 =	vmul.f32 v29, v9;
	(xrf2) =	vadd.scan.msk.f32 $0xffff, v59;
	v45 =	vpop (erf)  }
0x20a: {  	(xrf2) =	vadd.scan.msk.f32 $0xffff, v21;
	v46 =	vpop (erf)  }
0x20b: {  	v9 =	vadd.f32 v9, v27;
	v27, _, _ =	vpop (xrf2);
	(xrf2) =	vadd.scan.msk.f32 $0xffff, v46  }
0x20c: {  	v48, _, _ =	vpop (xrf2)  }
0x20d: {  	v29 =	vpop (erf)  }
0x20e: {  	v6 =	vmul.f32 v62, v6;
	v9 =	vadd.f32 v23, v9;
	(xrf2) =	vadd.scan.msk.f32 $0xffff, v45;
	v47 =	vpop (erf)  }
0x20f: {  	v23, _, _ =	vpop (xrf2);
	(xrf2) =	vadd.scan.msk.f32 $0xffff, v47  }
0x210: {  	v6 =	vadd.f32 v6, v9;
	v9 =	vbroadcast v23, $0xF;
	_ =	sdelay $0x1  }
0x211: {  	v2 =	vmul.f32 v28, v2  }
0x212: {  	v10 =	vmul.f32 v38, v10;
	v28 =	vbroadcast v48, $0xF;
	v23, _, _ =	vpop (xrf2)  }
0x213: {  	v2 =	vadd.f32 v2, v6;
	v6 =	vbroadcast v23, $0xF;
	(erf) = vrcp.f32 v9;
	v9, _, _ =	vpop (xrf2)  }
0x214: {  	(erf) = vrcp.f32 v28;
	v9 =	vbroadcast v9, $0xF;
	v23, _, _ =	vpop (xrf2)  }
0x215: {  	v2 =	vadd.f32 v20, v2;
	(erf) = vrcp.f32 v6;
	v6 =	vbroadcast v23, $0xF  }
0x216: {  	(erf) = vrcp.f32 v9;
	v9 =	vbroadcast v27, $0xF  }
0x217: {  	v2 =	vadd.f32 v10, v2;
	v17 =	vmul.f32 v54, v17;
	v20, _, _ =	vpop (xrf2);
	(erf) = vrcp.f32 v6  }
0x218: {  	v6 =	vbroadcast v20, $0xF;
	v10, _, _ =	vpop (xrf2);
	(erf) = vrcp.f32 v9  }
0x219: {  	v2 =	vadd.f32 v17, v2;
	v9 =	vbroadcast v10, $0xF;
	v10 =	vmul.f32 v58, v13;
	_ =	sdelay $0x1  }
0x21a: {  	(erf) = vrcp.f32 v6;
	v6 =	vmul.f32 v25, v35;
	v2 =	vadd.f32 v10, v2  }
0x21b: {  	(erf) = vrcp.f32 v9  }
0x21c: {  	v7 =	vmul.f32 v40, v7;
	v2 =	vadd.f32 v6, v2  }
0x21d: {  	v9 =	vpop (erf)  }
0x21e: {  	v13 =	vmul.f32 v44, v63;
	v10 =	vpop (erf);
	v2 =	vadd.f32 v7, v2  }
0x21f: {  	v6 =	vpop (erf)  }
0x220: {  	v4 =	vmul.f32 v43, v4;
	v7 =	vpop (erf);
	v2 =	vadd.f32 v13, v2  }
0x221: {  	v17 =	vpop (erf)  }
0x222: {  	v18 =	vadd.f32 v22, v18;
	v11 =	vmul.f32 v41, v11;
	v13 =	vpop (erf);
	v2 =	vadd.f32 v4, v2  }
0x223: {  	v22 =	vmctz.xlane vm1;
	vm1 =	veq.s32 v24, v0;
	vm3 =	veq.f32 v5, v16;
	v20 =	vpop (erf)  }
0x224: {  	v24 =	vsel vm1, $0x3F800000, v1;
	v25 =	vmul.f32 v29, v31;
	v4 =	vpop (erf);
	v2 =	vadd.f32 v11, v2  }
0x225: {  	v16 =	vmctz.xlane vm3;
	v23 =	vmctz.xlane vm2;
	_ =	swait.ge [sflag:s12], $0x4000;
	v11 =	vadd.f32 v24, v18  }
0x226: {  	vm1 =	veq.s32 v22, v0;
	v5 =	vmul.f32 v9, v42;
	[sflag:s12] =	ssyncset.done $0x0;
	v2 =	vadd.f32 v25, v2  }
0x227: {  	s17 =	simm.s32 $0x4200;
	vm3 =	veq.f32 v8, v30;
	vm2 =	veq.s32 v23, v0;
	[sflag:s12] =	ssyncadd.s32 $0xFFFFC000;
	v8 =	vadd.f32 v15, v11  }
0x228: {  	v6 =	vmul.f32 v6, v59;
	v11 =	vsel vm2, $0x3F800000, v1;
	v9 =	vld [tilespmem:s17+$0x80];
	v2 =	vadd.f32 v5, v2  }
0x229: {  	v15 =	vmctz.xlane vm3;
	vm2 =	veq.s32 v16, v0;
	v8 =	vadd.f32 v11, v8  }
0x22a: {  	v5 =	vld [tilespmem:s17+$0xFFFFFF80];
	v11 =	vsel vm2, $0x3F800000, v1;
	v2 =	vadd.f32 v6, v2;
	v6 =	vmul.f32 v17, v46  }
0x22b: {  	v16 =	vld [tilespmem:s17+$0xFFFFFE00];
	v17 =	vsel vm1, $0x3F800000, v1;
	vm1 =	veq.f32 v3, v19;
	v3 =	vadd.f32 v11, v8  }
0x22c: {  	v10 =	vmul.f32 v10, v56;
	vm2 =	veq.s32 v15, v0  }
0x22d: {  	v11 =	vmctz.xlane vm1;
	(xrf0) =	vmax.scan.msk.f32 $0xffff, v9;
	v2 =	vadd.f32 v6, v2;
	v3 =	vadd.f32 v17, v3  }
0x22e: {  	v8 =	vld [tilespmem:s17+$0xFFFFFE80];
	vm1 =	veq.f32 v12, v14;
	v12 =	vmul.f32 v20, v45;
	v6 =	vsel vm2, $0x3F800000, v1  }
0x22f: {  	(xrf0) =	vmax.scan.msk.f32 $0xffff, v5;
	v2 =	vadd.f32 v10, v2;
	v3 =	vadd.f32 v6, v3;
	v6 =	vmctz.xlane vm1  }
0x230: {  	v14 =	vsel vm0, $0x3F800000, v1;
	(xrf0) =	vmax.scan.msk.f32 $0xffff, v16  }
0x231: {  	v15 =	vld [tilespmem:s17+$0x100];
	vm0 =	veq.s32 v11, v0;
	v11 =	vmul.f32 v13, v26;
	v2 =	vadd.f32 v12, v2  }
0x232: {  	v7 =	vmul.f32 v7, v21;
	v10 =	vld [tilespmem:s17+$0xFFFFFF00];
	v3 =	vadd.f32 v14, v3  }
0x233: {  	(xrf0) =	vmax.scan.msk.f32 $0xffff, v8;
	v12 =	vsel vm0, $0x3F800000, v1;
	vm0 =	veq.s32 v6, v0;
	v6, _, _ =	vpop (xrf0);
	v2 =	vadd.f32 v11, v2  }
0x234: {  	v6 =	vbroadcast v6, $0xF  }
0x235: {  	v4 =	vmul.f32 v4, v47;
	v3 =	vadd.f32 v12, v3;
	v13, _, _ =	vpop (xrf0);
	v2 =	vadd.f32 v7, v2  }
0x236: {  	(xrf0) =	vmax.scan.msk.f32 $0xffff, v15;
	v11 =	vsel vm0, $0x3F800000, v1;
	v12 =	vld [tilespmem:s17+$0x0];
	v7, _, _ =	vpop (xrf0);
	v13 =	vbroadcast v13, $0xF;
	v14 =	vsub.f32 v9, v6  }
0x237: {  	(xrf0) =	vmax.scan.msk.f32 $0xffff, v10;
	v3 =	vadd.f32 v11, v3;
	v7 =	vbroadcast v7, $0xF  }
0x238: {  	v11 =	vadd.f32 v4, v2;
	v4 =	vmul.f32 $1.442695020e+00, v14;
	v14 =	vsub.f32 v5, v13  }
0x239: {  	v18 =	vsub.f32 v16, v7;
	v2, _, _ =	vpop (xrf0)  }
0x23a: {  	s31 =	simm.s32 $0x4600;
	v17 =	vld [tilespmem:s17+$0x180];
	vm0 =	veq.f32 v16, v7;
	v2 =	vbroadcast v2, $0xF;
	v7 =	vmul.f32 $1.442695020e+00, v14  }
0x23b: {  	v19 =	vld [tilespmem:s31+$0x80];
	vm1 =	veq.f32 v9, v6;
	(xrf0) =	vmax.scan.msk.f32 $0xffff, v12;
	(erf) = vpow2.f32 v4;
	v4 =	vmctz.xlane vm0  }
0x23c: {  	v9 =	vmctz.xlane vm1;
	v6, _, _ =	vpop (xrf0);
	v16 =	vsub.f32 v8, v2;
	vm0 =	veq.f32 v8, v2  }
0x23d: {  	v14, _, _ =	vpop (xrf0);
	(erf) = vpow2.f32 v7;
	vm1 =	veq.s32 v4, v0;
	v2 =	vmctz.xlane vm0  }
0x23e: {  	v20 =	vld [tilespmem:s31+$0xFFFFFF80];
	v14 =	vbroadcast v14, $0xF;
	v7 =	vsel vm1, $0x3F800000, v1;
	v4 =	vmul.f32 $1.442695020e+00, v16  }
0x23f: {  	v6 =	vbroadcast v6, $0xF;
	v8 =	vld [tilespmem:s31+$0xFFFFFE00];
	(xrf0) =	vmax.scan.msk.f32 $0xffff, v17;
	v16 =	vmul.f32 $1.442695020e+00, v18;
	v7 =	vadd.f32 v7, v3  }
0x240: {  	(xrf0) =	vmax.scan.msk.f32 $0xffff, v19;
	vm0 =	veq.s32 v2, v0;
	vm1 =	veq.f32 v10, v14;
	(erf) = vpow2.f32 v4  }
0x241: {  	v4 =	vmctz.xlane vm1;
	vm1 =	veq.f32 v5, v13;
	v2, _, _ =	vpop (xrf0);
	(erf) = vpow2.f32 v16  }
0x242: {  	v5 =	vmctz.xlane vm1;
	v13 =	vbroadcast v2, $0xF;
	v2 =	vsel vm0, $0x3F800000, v1  }
0x243: {  	(xrf0) =	vmax.scan.msk.f32 $0xffff, v20;
	vm0 =	veq.s32 v4, v0;
	v4 =	vsub.f32 v15, v6;
	v7 =	vadd.f32 v2, v7  }
0x244: {  	(xrf0) =	vmax.scan.msk.f32 $0xffff, v8;
	v16 =	vsel vm0, $0x3F800000, v1;
	vm0 =	veq.s32 v5, v0  }
0x245: {  	v18 =	vld [tilespmem:s31+$0xFFFFFE80];
	v21, _, _ =	vpop (xrf0);
	vm1 =	veq.f32 v12, v13;
	v4 =	vmul.f32 $1.442695020e+00, v4;
	v7 =	vadd.f32 v16, v7  }
0x246: {  	v23, _, _ =	vpop (xrf0);
	v22 =	vmctz.xlane vm1;
	vm1 =	veq.s32 v9, v0;
	v9 =	vsel vm0, $0x3F800000, v1  }
0x247: {  	v10 =	vsub.f32 v10, v14;
	v21 =	vbroadcast v21, $0xF;
	v2 =	vpop (erf);
	v7 =	vadd.f32 v9, v7  }
0x248: {  	v12 =	vsub.f32 v12, v13;
	v16 =	vpop (erf);
	(erf) = vpow2.f32 v4;
	(xrf2) =	vadd.scan.msk.f32 $0xffff, v2;
	vm0 =	veq.s32 v22, v0  }
0x249: {  	v3 =	vld [tilespmem:s31+$0x100];
	v10 =	vmul.f32 $1.442695020e+00, v10;
	vm2 =	veq.f32 v17, v21;
	(xrf2) =	vadd.scan.msk.f32 $0xffff, v16;
	v9, _, _ =	vpop (xrf0);
	v22 =	vsel vm0, $0x3F800000, v1  }
0x24a: {  	v5 =	vld [tilespmem:s31+$0xFFFFFF00];
	(xrf0) =	vmax.scan.msk.f32 $0xffff, v18;
	v4 =	vmul.f32 $1.442695020e+00, v12;
	vm0 =	veq.f32 v15, v6;
	v24, _, _ =	vpop (xrf0);
	v6 =	vadd.f32 v22, v7  }
0x24b: {  	v13 =	vsel vm1, $0x3F800000, v1;
	v12 =	vmctz.xlane vm0;
	v15 =	vbroadcast v24, $0xF;
	v7 =	vpop (erf)  }
0x24c: {  	(erf) = vpow2.f32 v4;
	v9 =	vbroadcast v9, $0xF;
	v13 =	vadd.f32 v13, v6;
	v14 =	vpop (erf)  }
0x24d: {  	v22 =	vld [tilespmem:s31+$0x0];
	v6 =	vbroadcast v23, $0xF;
	vm0 =	veq.s32 v12, v0;
	v12 =	vsub.f32 v8, v15;
	(xrf2) =	vadd.scan.msk.f32 $0xffff, v14  }
0x24e: {  	v25 =	vmctz.xlane vm2;
	(xrf0) =	vmax.scan.msk.f32 $0xffff, v3;
	(erf) = vpow2.f32 v10;
	vm1 =	veq.f32 v8, v15  }
0x24f: {  	(xrf0) =	vmax.scan.msk.f32 $0xffff, v5;
	v23 =	vsub.f32 v20, v9;
	v8 =	vsub.f32 v19, v6;
	v4 =	vmctz.xlane vm1  }
0x250: {  	v10, _, _ =	vpop (xrf0);
	vm1 =	veq.f32 v19, v6;
	v6 =	vsub.f32 v17, v21;
	v17 =	vsel vm0, $0x3F800000, v1  }
0x251: {  	vm0 =	veq.f32 v20, v9;
	v19 =	vmul.f32 $1.442695020e+00, v12;
	(xrf2) =	vadd.scan.msk.f32 $0xffff, v7;
	v8 =	vmul.f32 $1.442695020e+00, v8;
	v12 =	vpop (erf)  }
0x252: {  	v10 =	vbroadcast v10, $0xF;
	(xrf0) =	vmax.scan.msk.f32 $0xffff, v22;
	v29 =	vmctz.xlane vm0;
	v20, _, _ =	vpop (xrf2)  }
0x253: {  	(erf) = vpow2.f32 v8;
	v8 =	vmul.f32 $1.442695020e+00, v23;
	v23, _, _ =	vpop (xrf2);
	(xrf2) =	vadd.scan.msk.f32 $0xffff, v12  }
0x254: {  	v15, _, _ =	vpop (xrf0);
	v13 =	vadd.f32 v17, v13;
	vm3 =	veq.s32 v4, v0;
	v4 =	vmctz.xlane vm1  }
0x255: {  	v21 =	vld [tilespmem:s31+$0x180];
	v15 =	vbroadcast v15, $0xF;
	v24, _, _ =	vpop (xrf0);
	vm1 =	veq.f32 v18, v10;
	v9 =	vmul.f32 $1.442695020e+00, v6  }
0x256: {  	s18 =	simm.s32 $0x4A00;
	v10 =	vsub.f32 v18, v10;
	v24 =	vbroadcast v24, $0xF;
	v26 =	vsel vm3, $0x3F800000, v1  }
0x257: {  	v28 =	vld [tilespmem:s18+$0x80];
	v27 =	vmctz.xlane vm1;
	vm1 =	veq.s32 v25, v0;
	vm0 =	veq.s32 v4, v0;
	v30, _, _ =	vpop (xrf2)  }
0x258: {  	v60 =	vld [tilespmem:s18+$0xFFFFFF80];
	v6 =	vpop (erf);
	v17 =	vsel vm1, $0x3F800000, v1;
	(erf) = vpow2.f32 v9;
	v4 =	vbroadcast v30, $0xF  }
0x259: {  	vm1 =	veq.s32 v29, v0;
	vm2 =	veq.s32 v27, v0;
	v13 =	vadd.f32 v17, v13;
	v25, _, _ =	vpop (xrf0)  }
0x25a: {  	(xrf0) =	vmax.scan.msk.f32 $0xffff, v21;
	v9 =	vpop (erf);
	v30 =	vsub.f32 v3, v15;
	(erf) = vrcp.f32 v4;
	v4 =	vbroadcast v25, $0xF  }
0x25b: {  	v27 =	vsel vm1, $0x3F800000, v1;
	vm1 =	veq.f32 v5, v24;
	v17 =	vbroadcast v23, $0xF;
	(xrf2) =	vadd.scan.msk.f32 $0xffff, v9  }
0x25c: {  	(xrf0) =	vmax.scan.msk.f32 $0xffff, v28;
	v26 =	vadd.f32 v26, v13;
	v23, _, _ =	vpop (xrf2);
	v29 =	vmul.f32 $1.442695020e+00, v30;
	v25 =	vld [tilespmem:s18+$0xFFFFFE00];
	(erf) = vpow2.f32 v8  }
0x25d: {  	(xrf0) =	vmax.scan.msk.f32 $0xffff, v60;
	v18, _, _ =	vpop (xrf2);
	v8 =	vsub.f32 v22, v4;
	vm3 =	veq.f32 v22, v4;
	v22 =	vmctz.xlane vm1  }
0x25e: {  	(xrf2) =	vadd.scan.msk.f32 $0xffff, v6;
	v30 =	vsel vm2, $0x3F800000, v1;
	v18 =	vbroadcast v18, $0xF;
	v4 =	vpop (erf);
	(erf) = vrcp.f32 v17  }
0x25f: {  	v13 =	vld [tilespmem:s18+$0xFFFFFE80];
	v17 =	vbroadcast v23, $0xF;
	v23 =	vadd.f32 v30, v26;
	vm1 =	veq.s32 v22, v0  }
0x260: {  	v31, _, _ =	vpop (xrf0);
	v26 =	vmul.f32 $1.442695020e+00, v8;
	v8 =	vmul.f32 $1.442695020e+00, v10;
	v22 =	vsel vm1, $0x3F800000, v1  }
0x261: {  	(xrf0) =	vmax.scan.msk.f32 $0xffff, v25;
	v10 =	vpop (erf);
	v22 =	vadd.f32 v22, v23;
	(erf) = vrcp.f32 v17  }
0x262: {  	v24 =	vsub.f32 v5, v24;
	v61, _, _ =	vpop (xrf0);
	v30 =	vmctz.xlane vm3;
	(erf) = vpow2.f32 v8  }
0x263: {  	v17 =	vsel vm0, $0x3F800000, v1;
	(xrf2) =	vadd.scan.msk.f32 $0xffff, v10;
	vm0 =	veq.f32 v3, v15;
	v3 =	vld [tilespmem:s18+$0x100];
	(erf) = vrcp.f32 v18;
	v18, _, _ =	vpop (xrf0)  }
0x264: {  	v20 =	vbroadcast v20, $0xF;
	vm1 =	veq.s32 v30, v0;
	(xrf0) =	vmax.scan.msk.f32 $0xffff, v13;
	v15 =	vadd.f32 v27, v22;
	v23 =	vpop (erf)  }
0x265: {  	v63 =	vmul.f32 $1.442695020e+00, v24;
	v30 =	vbroadcast v31, $0xF;
	v27 =	vsel vm1, $0x3F800000, v1;
	v22, _, _ =	vpop (xrf2)  }
0x266: {  	v5 =	vld [tilespmem:s18+$0xFFFFFF00];
	(erf) = vpow2.f32 v19;
	v8 =	vpop (erf);
	v15 =	vadd.f32 v27, v15;
	v27 =	vmctz.xlane vm0  }
0x267: {  	vm1 =	veq.f32 v21, v30;
	(erf) = vpow2.f32 v29;
	v22 =	vbroadcast v22, $0xF;
	v31, _, _ =	vpop (xrf0)  }
0x268: {  	v23 =	vmul.f32 v23, v14;
	(xrf0) =	vmax.scan.msk.f32 $0xffff, v3;
	v14, _, _ =	vpop (xrf2);
	v31 =	vbroadcast v31, $0xF;
	v19 =	vadd.f32 v17, v15  }
0x269: {  	vm0 =	veq.s32 v27, v0;
	v15 =	vbroadcast v61, $0xF;
	v62 =	vpop (erf);
	(erf) = vrcp.f32 v22  }
0x26a: {  	(xrf2) =	vadd.scan.msk.f32 $0xffff, v4;
	v22 =	vbroadcast v14, $0xF;
	v17 =	vsub.f32 v25, v31;
	v27, _, _ =	vpop (xrf0);
	vm2 =	veq.f32 v25, v31  }
0x26b: {  	v29 =	vsub.f32 v28, v15;
	(xrf0) =	vmax.scan.msk.f32 $0xffff, v5;
	v25 =	vpop (erf);
	(erf) = vrcp.f32 v20;
	v20 =	vmctz.xlane vm2  }
0x26c: {  	vm2 =	veq.f32 v28, v15;
	v14 =	vpop (erf);
	v25 =	vmul.f32 v25, v7;
	(erf) = vrcp.f32 v22  }
0x26d: {  	v11 =	vadd.f32 v23, v11;
	v28, _, _ =	vpop (xrf2);
	v33 =	vmul.f32 $1.442695020e+00, v29;
	v29 =	vmctz.xlane vm2  }
0x26e: {  	v32 =	vsub.f32 v21, v30;
	v30, _, _ =	vpop (xrf0);
	(erf) = vpow2.f32 v26;
	v26 =	vbroadcast v18, $0xF  }
0x26f: {  	v22 =	vsel vm0, $0x3F800000, v1;
	v7 =	vld [tilespmem:s18+$0x0];
	v21 =	vmul.f32 $1.442695020e+00, v17;
	(xrf2) =	vadd.scan.msk.f32 $0xffff, v8;
	vm3 =	veq.s32 v20, v0;
	v20 =	vpop (erf)  }
0x270: {  	vm0 =	veq.s32 v29, v0;
	v29 =	vadd.f32 v25, v11;
	v25 =	vsub.f32 v60, v26;
	v17 =	vpop (erf)  }
0x271: {  	v24 =	vmctz.xlane vm1;
	v23 =	vmul.f32 v62, v16;
	v11, _, _ =	vpop (xrf0)  }
0x272: {  	v18 =	vbroadcast v30, $0xF;
	v20 =	vmul.f32 v20, v12;
	v12 =	vpop (erf);
	(xrf2) =	vadd.scan.msk.f32 $0xffff, v17  }
0x273: {  	v30 =	vbroadcast v27, $0xF;
	v16 =	vbroadcast v11, $0xF;
	v11 =	vld [tilespmem:s18+$0x180];
	v31 =	vpop (erf)  }
0x274: {  	v15 =	vsel vm3, $0x3F800000, v1;
	vm1 =	veq.f32 v60, v26;
	(xrf0) =	vmax.scan.msk.f32 $0xffff, v7;
	v34 =	vmul.f32 $1.442695020e+00, v25;
	v25, _, _ =	vpop (xrf2)  }
0x275: {  	s17 =	simm.s32 $0x10;
	(erf) = vpow2.f32 v63;
	v26 =	vbroadcast v28, $0xF;
	vm2 =	veq.f32 v13, v30;
	s18 =	simm.s32 $0x4E00;
	(xrf2) =	vadd.scan.msk.f32 $0xffff, v14;
	v27 =	vpop (erf)  }
.LBB2_8:
0x276: {  	v35 =	vmctz.xlane vm2  }
0x277: {  	v28 =	vld [tilespmem:s18+$0xFFFFFE00];
	s17 =	sadd.s32 $0x8, s17;
	v36 =	vsub.f32 v3, v18;
	v19 =	vadd.f32 v22, v19;
	v37 =	vpop (erf);
	v40 =	vmctz.xlane vm1  }
0x278: {  	vm1 =	veq.s32 v24, v0;
	v39 =	vmovc v5;
	v24 =	vmovc v11;
	v11 =	vmul.f32 $1.442695020e+00, v32;
	v22 =	vld [tilespmem:s18+$0x80];
	p0 =	slt.u32 s17, $0x78;
	(erf) = vrcp.f32 v26  }
0x279: {  	v9 =	vmul.f32 v31, v9;
	v32 =	vsel vm1, $0x3F800000, v1;
	v5 =	vld [tilespmem:s18+$0xFFFFFF00];
	(erf) = vpow2.f32 v33;
	v33, _, _ =	vpop (xrf2)  }
0x27a: {  	v27 =	vmul.f32 v27, v2;
	vm1 =	veq.s32 v40, v0;
	v36 =	vmul.f32 $1.442695020e+00, v36;
	v26 =	vld [tilespmem:s18+$0xFFFFFF80];
	v38 =	vpop (erf);
	(xrf2) =	vadd.scan.msk.f32 $0xffff, v12  }
0x27b: {  	v37 =	vmul.f32 v37, v6;
	vm2 =	veq.s32 v35, v0;
	v31 =	vsel vm1, $0x3F800000, v1;
	v35, _, _ =	vpop (xrf0)  }
0x27c: {  	v19 =	vadd.f32 v32, v19;
	v29 =	vadd.f32 v9, v29;
	v35 =	vbroadcast v35, $0xF;
	v6, _, _ =	vpop (xrf2)  }
0x27d: {  	vm1 =	veq.f32 v39, v16;
	v32 =	vld [tilespmem:s18+$0xFFFFFE80];
	(xrf0) =	vmax.scan.msk.f32 $0xffff, v24;
	v40 =	vbroadcast v6, $0xF;
	(erf) = vpow2.f32 v11;
	v6 =	vmovc v38  }
0x27e: {  	v33 =	vbroadcast v33, $0xF;
	v38 =	vsub.f32 v7, v35;
	vm3 =	veq.f32 v7, v35;
	v7 =	vld [tilespmem:s18+$0x0];
	v9 =	vpop (erf)  }
0x27f: {  	v41 =	vsel vm0, $0x3F800000, v1;
	v2 =	vmovc v4;
	v35 =	vmctz.xlane vm1;
	(erf) = vrcp.f32 v40;
	(xrf2) =	vadd.scan.msk.f32 $0xffff, v9  }
0x280: {  	v40 =	vsel vm2, $0x3F800000, v1;
	v43 =	vmctz.xlane vm3;
	v11 =	vld [tilespmem:s18+$0x180];
	v38 =	vmul.f32 $1.442695020e+00, v38;
	v42, _, _ =	vpop (xrf2)  }
0x281: {  	vm0 =	veq.f32 v3, v18;
	v23 =	vadd.f32 v23, v29;
	(erf) = vpow2.f32 v34  }
0x282: {  	(xrf0) =	vmax.scan.msk.f32 $0xffff, v22;
	v29 =	vpop (erf);
	v18 =	vbroadcast v42, $0xF;
	v42 =	vadd.f32 v15, v19;
	vm1 =	veq.s32 v43, v0  }
0x283: {  	v19 =	vadd.f32 v37, v23;
	v37 =	vsub.f32 v13, v30;
	v4 =	vpop (erf);
	v29 =	vmul.f32 v29, v10  }
0x284: {  	v23 =	vsel vm1, $0x3F800000, v1;
	v3 =	vld [tilespmem:s18+$0x100];
	v15, _, _ =	vpop (xrf0)  }
0x285: {  	v19 =	vadd.f32 v27, v19;
	v27 =	vmul.f32 $1.442695020e+00, v37;
	(erf) = vrcp.f32 v33;
	(xrf2) =	vadd.scan.msk.f32 $0xffff, v6;
	v30, _, _ =	vpop (xrf2)  }
0x286: {  	vm1 =	veq.s32 v35, v0;
	v33 =	vadd.f32 v40, v42;
	(xrf0) =	vmax.scan.msk.f32 $0xffff, v26  }
0x287: {  	v13 =	vmov v32;
	v34 =	vsel vm1, $0x3F800000, v1;
	(xrf0) =	vmax.scan.msk.f32 $0xffff, v28;
	v10 =	vpop (erf)  }
0x288: {  	v33 =	vadd.f32 v34, v33;
	v32, _, _ =	vpop (xrf0);
	(erf) = vrcp.f32 v18;
	v18 =	vadd.f32 v20, v19  }
0x289: {  	v19 =	vbroadcast v30, $0xF;
	(erf) = vpow2.f32 v27;
	v20 =	vpop (erf);
	(xrf2) =	vadd.scan.msk.f32 $0xffff, v10;
	v27 =	vmov v8  }
0x28a: {  	v15 =	vbroadcast v15, $0xF;
	v30 =	vadd.f32 v31, v33;
	(xrf0) =	vmax.scan.msk.f32 $0xffff, v13;
	v31, _, _ =	vpop (xrf2);
	v18 =	vadd.f32 v29, v18  }
0x28b: {  	v29 =	vmov v14;
	v8 =	vpop (erf);
	(erf) = vrcp.f32 v19  }
0x28c: {  	v33 =	vadd.f32 v23, v30;
	v23 =	vmctz.xlane vm0;
	v30 =	vbroadcast v31, $0xF;
	v34, _, _ =	vpop (xrf0)  }
0x28d: {  	v16 =	vsub.f32 v39, v16;
	v19, _, _ =	vpop (xrf0);
	(erf) = vpow2.f32 v21;
	v21 =	vbroadcast v25, $0xF  }
0x28e: {  	v35 =	vbroadcast v19, $0xF;
	v19 =	vadd.f32 v41, v33;
	(erf) = vpow2.f32 v36;
	v31 =	vpop (erf)  }
0x28f: {  	vm0 =	veq.s32 v23, v0;
	v23 =	vmul.f32 v20, v17;
	(xrf0) =	vmax.scan.msk.f32 $0xffff, v3;
	(erf) = vrcp.f32 v30;
	v14, _, _ =	vpop (xrf2)  }
0x290: {  	v20 =	vbroadcast v32, $0xF;
	v17 =	vsub.f32 v28, v35;
	v30, _, _ =	vpop (xrf0);
	v33 =	vbroadcast v14, $0xF  }
0x291: {  	vm1 =	veq.f32 v24, v15;
	vm2 =	veq.f32 v28, v35;
	(xrf2) =	vadd.scan.msk.f32 $0xffff, v4;
	v25 =	vpop (erf);
	(erf) = vrcp.f32 v21  }
0x292: {  	v36 =	vsub.f32 v22, v20;
	v21 =	vmctz.xlane vm2;
	vm2 =	veq.f32 v22, v20;
	v14 =	vpop (erf)  }
0x293: {  	v32 =	vsub.f32 v24, v15;
	v24 =	vmul.f32 v25, v29;
	(xrf0) =	vmax.scan.msk.f32 $0xffff, v5;
	(erf) = vrcp.f32 v33;
	v35, _, _ =	vpop (xrf2)  }
0x294: {  	v22 =	vsel vm0, $0x3F800000, v1;
	vm3 =	veq.s32 v21, v0;
	v33 =	vmul.f32 $1.442695020e+00, v36;
	(xrf2) =	vadd.scan.msk.f32 $0xffff, v8;
	v20 =	vpop (erf)  }
0x295: {  	v25 =	vmctz.xlane vm2;
	v15 =	vsel vm3, $0x3F800000, v1;
	v28, _, _ =	vpop (xrf0);
	v20 =	vmul.f32 v20, v12  }
0x296: {  	v23 =	vadd.f32 v23, v18;
	v21 =	vmul.f32 $1.442695020e+00, v17;
	v17 =	vpop (erf);
	(erf) = vpow2.f32 v38  }
.Ltmp3:
0x297: {  	v34 =	vbroadcast v34, $0xF;
	vm0 =	veq.s32 v25, v0;
	v25 =	vmul.f32 $1.442695020e+00, v16;
	(xrf2) =	vadd.scan.msk.f32 $0xffff, v17;
	v12 =	vpop (erf);
	(pc) =	sbr.rel @p0 .LBB2_8-.Ltmp3, $4  }
0x298: {  	v29 =	vadd.f32 v24, v23;
	v23 =	vmul.f32 v31, v27;
	v18 =	vbroadcast v28, $0xF;
	v31 =	vpop (erf)  }
0x299: {  	v30 =	vbroadcast v30, $0xF;
	v24 =	vmctz.xlane vm1;
	v28 =	vsub.f32 v26, v34;
	v16, _, _ =	vpop (xrf0)  }
0x29a: {  	vm1 =	veq.f32 v26, v34;
	v16 =	vbroadcast v16, $0xF;
	(xrf0) =	vmax.scan.msk.f32 $0xffff, v7;
	(erf) = vpow2.f32 v25;
	v27 =	vpop (erf)  }
0x29b: {  	s18 =	sadd.s32 $0x400, s18;
	vm2 =	veq.f32 v13, v30;
	v26 =	vbroadcast v35, $0xF;
	v34 =	vmul.f32 $1.442695020e+00, v28;
	(xrf2) =	vadd.scan.msk.f32 $0xffff, v14;
	v25, _, _ =	vpop (xrf2)  }
0x29c: {  	_ =	sdelay $0x1  }
0x29d: {  	(xrf2) =	vadd.scan.msk.f32 $0xffff, v12  }
0x29e: {  	v28 =	vpop (erf)  }
0x29f: {  	v35, _, _ =	vpop (xrf2)  }
0x2a0: {  	v36 =	vpop (erf)  }
0x2a1: {  	v48 =	vmul.f32 $1.442695020e+00, v32;
	(erf) = vrcp.f32 v26;
	v49, _, _ =	vpop (xrf2)  }
0x2a2: {  	(erf) = vpow2.f32 v33;
	v33 =	vpop (erf)  }
0x2a3: {  	v32 =	vbroadcast v49, $0xF;
	(erf) = vpow2.f32 v48;
	(xrf2) =	vadd.scan.msk.f32 $0xffff, v33  }
0x2a4: {  	v13 =	vsub.f32 v13, v30  }
0x2a5: {  	(erf) = vrcp.f32 v32;
	(xrf2) =	vadd.scan.msk.f32 $0xffff, v36  }
0x2a6: {  	v13 =	vmul.f32 $1.442695020e+00, v13;
	v50 =	vbroadcast v35, $0xF;
	v51, _, _ =	vpop (xrf2)  }
0x2a7: {  	(erf) = vpow2.f32 v34;
	v52 =	vbroadcast v51, $0xF;
	v53, _, _ =	vpop (xrf2)  }
0x2a8: {  	(erf) = vrcp.f32 v50;
	v26 =	vbroadcast v53, $0xF  }
0x2a9: {  	v54, _, _ =	vpop (xrf0);
	(erf) = vrcp.f32 v52  }
0x2aa: {  	v56 =	vsub.f32 v3, v18;
	v55 =	vpop (erf);
	(erf) = vpow2.f32 v13  }
0x2ab: {  	v13 =	vpop (erf);
	(erf) = vrcp.f32 v26  }
0x2ac: {  	v57 =	vmul.f32 $1.442695020e+00, v56;
	v26 =	vpop (erf)  }
0x2ad: {  	v32 =	vbroadcast v54, $0xF;
	(erf) = vpow2.f32 v21;
	v58, _, _ =	vpop (xrf2)  }
0x2ae: {  	(xrf2) =	vadd.scan.msk.f32 $0xffff, v26;
	v59 =	vpop (erf);
	(erf) = vpow2.f32 v57;
	v34 =	vbroadcast v58, $0xF  }
0x2af: {  	v25 =	vbroadcast v25, $0xF;
	v39 =	vsub.f32 v5, v16;
	(xrf0) =	vmax.scan.msk.f32 $0xffff, v11;
	v37 =	vsub.f32 v7, v32;
	v60, _, _ =	vpop (xrf2)  }
0x2b0: {  	v38 =	vpop (erf);
	v21 =	vbroadcast v60, $0xF;
	(erf) = vrcp.f32 v34  }
0x2b1: {  	v61 =	vmul.f32 $1.442695020e+00, v37;
	v62 =	vpop (erf);
	(erf) = vrcp.f32 v25  }
0x2b2: {  	v43 =	vmul.f32 $1.442695020e+00, v39;
	v63 =	vpop (erf);
	(erf) = vrcp.f32 v21  }
0x2b3: {  	v39 =	vpop (erf);
	(erf) = vpow2.f32 v61  }
0x2b4: {  	v9 =	vmul.f32 v31, v9;
	v34 =	vpop (erf);
	(erf) = vpow2.f32 v43  }
0x2b5: {  	v44, _, _ =	vpop (xrf0)  }
0x2b6: {  	v9 =	vadd.f32 v9, v29;
	v21 =	vpop (erf)  }
0x2b7: {  	(xrf2) =	vadd.scan.msk.f32 $0xffff, v13;
	v40 =	vpop (erf)  }
0x2b8: {  	v6 =	vmul.f32 v28, v6;
	v9 =	vadd.f32 v23, v9;
	v31 =	vbroadcast v44, $0xF;
	(xrf2) =	vadd.scan.msk.f32 $0xffff, v38;
	v45, _, _ =	vpop (xrf2)  }
0x2b9: {  	(xrf2) =	vadd.scan.msk.f32 $0xffff, v21;
	v46 =	vpop (erf)  }
0x2ba: {  	v2 =	vmul.f32 v27, v2;
	v6 =	vadd.f32 v6, v9;
	v47 =	vsub.f32 v11, v31;
	(xrf2) =	vadd.scan.msk.f32 $0xffff, v39;
	v41 =	vpop (erf)  }
0x2bb: {  	v29 =	vbroadcast v45, $0xF;
	(xrf2) =	vadd.scan.msk.f32 $0xffff, v40;
	v48 =	vpop (erf)  }
0x2bc: {  	v2 =	vadd.f32 v2, v6;
	v49 =	vmul.f32 $1.442695020e+00, v47;
	v28 =	vpop (erf)  }
0x2bd: {  	(erf) = vrcp.f32 v29;
	v50 =	vpop (erf)  }
0x2be: {  	v2 =	vadd.f32 v20, v2;
	v10 =	vmul.f32 v55, v10;
	(erf) = vpow2.f32 v49;
	(xrf2) =	vadd.scan.msk.f32 $0xffff, v50;
	_ =	sdelay $0x1  }
0x2bf: {  	v2 =	vadd.f32 v10, v2;
	v52 =	vmul.f32 v59, v17  }
0x2c0: {  	v51, _, _ =	vpop (xrf2)  }
0x2c1: {  	v2 =	vadd.f32 v52, v2;
	v14 =	vmul.f32 v63, v14;
	v53, _, _ =	vpop (xrf2);
	(xrf2) =	vadd.scan.msk.f32 $0xffff, v28  }
0x2c2: {  	v54, _, _ =	vpop (xrf2)  }
0x2c3: {  	v2 =	vadd.f32 v14, v2;
	v57 =	vmul.f32 v46, v33;
	v55 =	vbroadcast v54, $0xF;
	v56, _, _ =	vpop (xrf2)  }
0x2c4: {  	v8 =	vmul.f32 v62, v8;
	v17 =	vbroadcast v53, $0xF;
	v60, _, _ =	vpop (xrf2)  }
0x2c5: {  	v2 =	vadd.f32 v57, v2;
	v59 =	vbroadcast v56, $0xF;
	v58 =	vpop (erf);
	(erf) = vrcp.f32 v55  }
0x2c6: {  	v9 =	vmul.f32 v48, v36;
	(erf) = vrcp.f32 v17;
	v14 =	vpop (erf)  }
0x2c7: {  	v2 =	vadd.f32 v8, v2;
	v61 =	vbroadcast v60, $0xF;
	(erf) = vrcp.f32 v59;
	(xrf2) =	vadd.scan.msk.f32 $0xffff, v14;
	v62, _, _ =	vpop (xrf2)  }
0x2c8: {  	v63 =	vbroadcast v62, $0xF  }
0x2c9: {  	v4 =	vmul.f32 v41, v4;
	v2 =	vadd.f32 v9, v2;
	(erf) = vrcp.f32 v61  }
0x2ca: {  	vm8 =	veq.s32 v24, v0;
	(erf) = vrcp.f32 v63  }
0x2cb: {  	v25 =	vmul.f32 v34, v12;
	v2 =	vadd.f32 v4, v2;
	v17 =	vbroadcast v51, $0xF;
	v20, _, _ =	vpop (xrf2)  }
0x2cc: {  	vm10 =	veq.f32 v5, v16;
	v34 =	vadd.f32 v22, v19;
	v27 =	vbroadcast v20, $0xF  }
0x2cd: {  	v30 =	vmul.f32 v58, v26;
	v2 =	vadd.f32 v25, v2;
	(erf) = vrcp.f32 v17  }
0x2ce: {  	v37 =	vsel vm8, $0x3F800000, v1;
	v29 =	vmctz.xlane vm2;
	v33 =	vpop (erf);
	(erf) = vrcp.f32 v27  }
0x2cf: {  	v4 =	vadd.f32 v37, v34;
	v2 =	vadd.f32 v30, v2;
	v36 =	vpop (erf);
	v41 =	vmul.f32 v33, v21  }
0x2d0: {  	v35 =	vmctz.xlane vm1;
	v46 =	vmctz.xlane vm10;
	vm9 =	veq.s32 v29, v0;
	v42 =	vpop (erf)  }
0x2d1: {  	v4 =	vadd.f32 v15, v4;
	v43, _, _ =	vpop (xrf2);
	v44 =	vmul.f32 v42, v39;
	v2 =	vadd.f32 v41, v2  }
0x2d2: {  	vm11 =	veq.f32 v7, v32;
	v47 =	vsel vm9, $0x3F800000, v1;
	v45 =	vpop (erf);
	v5 =	vbroadcast v43, $0xF  }
0x2d3: {  	vm2 =	veq.s32 v46, v0;
	v4 =	vadd.f32 v47, v4;
	v2 =	vadd.f32 v44, v2;
	v48 =	vpop (erf)  }
0x2d4: {  	(erf) = vrcp.f32 v5;
	v49 =	vmul.f32 v48, v50;
	v50 =	vsel vm2, $0x3F800000, v1  }
0x2d5: {  	vm12 =	veq.s32 v35, v0;
	v53 =	vmctz.xlane vm11;
	v4 =	vadd.f32 v50, v4  }
0x2d6: {  	v55 =	vsel vm12, $0x3F800000, v1;
	v51 =	vmul.f32 v36, v38;
	v52 =	vpop (erf);
	v2 =	vadd.f32 v49, v2  }
0x2d7: {  	vm13 =	veq.f32 v3, v18;
	vm14 =	veq.s32 v53, v0;
	v54 =	vpop (erf);
	v3 =	vadd.f32 v55, v4  }
0x2d8: {  	v56 =	vsel vm14, $0x3F800000, v1;
	v6 =	vmul.f32 v54, v28;
	v2 =	vadd.f32 v51, v2  }
0x2d9: {  	vm15 =	veq.f32 v11, v31;
	v59 =	vmctz.xlane vm13;
	v3 =	vadd.f32 v56, v3  }
0x2da: {  	v58 =	vsel vm0, $0x3F800000, v1;
	v57 =	vmul.f32 v52, v13;
	v2 =	vadd.f32 v6, v2  }
0x2db: {  	v61 =	vmctz.xlane vm15;
	vm1 =	veq.s32 v59, v0;
	v3 =	vadd.f32 v58, v3  }
0x2dc: {  	v63 =	vsel vm1, $0x3F800000, v1;
	v60 =	vmul.f32 v45, v40;
	v2 =	vadd.f32 v57, v2  }
0x2dd: {  	vm0 =	veq.s32 v61, v0;
	v62 =	vpop (erf);
	v3 =	vadd.f32 v63, v3  }
0x2de: {  	v4 =	vsel vm0, $0x3F800000, v1;
	v5 =	vmul.f32 v62, v14;
	v2 =	vadd.f32 v60, v2  }
0x2df: {  	v3 =	vadd.f32 v4, v3  }
0x2e0: {  	v2 =	vadd.f32 v5, v2  }
0x2e1: {  	[tilespmem:$0x8080] =	vst v3  }
0x2e2: {  	[tilespmem:$0x8000] =	vst v2  }
0x2e3: {  	[hbm4b:s7+s2] =	stream.linear.scatter [tilespmem:s13], [sflag:$0x3], $0x80, $0x38;
	[tilespmem:$0x8100] =	vst v63  }
0x2e4: {  	s16 =	sadd.s32 $0x1, s16;
	_ =	swait.ge [sflag:s14], $0x80  }
0x2e5: {  	p0 =	sne.s32 s16, s9;
	[sflag:s14] =	ssyncset.done $0x0  }
.Ltmp4:
0x2e6: {  	[sflag:s14] =	ssyncadd.s32 $0xFFFFFF80;
	(pc) =	sbr.rel @p0 .LBB2_1-.Ltmp4, $4  }
0x2e7: {  	[hbm4b:s8+s2] =	stream.linear.scatter [tilespmem:s15], [sflag:$0x3], $0x80, $0x38;
	[tilespmem:$0x8100] =	vst v63  }
0x2e8: {  	_ =	swait.ge [sflag:s14], $0x80  }
0x2e9: {  	[sflag:s14] =	ssyncset.done $0x0  }
0x2ea: {  	[sflag:s14] =	ssyncadd.s32 $0xFFFFFF80  }
0x2eb: {  	_ =	sfence.sel $0x180000  }
0x2ec: {  	[bflag:$0x0] =	sbarrier.arrive $0xFFFF  }
0x2ed: {  	p0 =	sne.s32 s1, $0x0;
	_ =	strace $0x90000047  }
0x2ee: {  	s0 =	sadd.s32 @!p0 $0x100000, s0;
	[bflag:$0x2] =	sbarrier.arrive $0xFFFF  }
0x2ef: {  	[sflag:s0] =	ssyncadd.tile.s32 @!p0 $0x1;
	_ =	shalt  }
.Lfunc_end2:
_tile_overlayer_lowered:
.L_overlay_start_2:
0x2f0: {  	(tag) =	ssettag $0x2  }
0x2f1: {  	s0 =	rddreg [dreg:$0x0];
	s2 =	stileid.u32  }
0x2f2: {  	s1 =	rddreg [dreg:$0x1];
	p0 =	sne.s32 s2, $0x0  }
0x2f3: {  	s3 =	rddreg [dreg:$0x2];
	[bflag:$0x3] =	sbarrier.arrive $0xFFFF;
	s2 =	simm.s32 @!p0 $0x1C03  }
0x2f4: {  	[timem:s3], [sflag:s2] =	dma.local @!p0 [hbm:s0], s1  }
0x2f5: {  	s0 =	simm.s32 @!p0 $0x3  }
0x2f6: {  	_ =	swait.ge @!p0 [sflag:s0], s1  }
0x2f7: {  	s1 =	ssub.s32 @!p0 $0x0, s1;
	[sflag:s0] =	ssyncset.done @!p0 $0x0  }
0x2f8: {  	[sflag:s0] =	ssyncadd.s32 @!p0 s1  }
0x2f9: {  	[bflag:$0x3] =	sbarrier.arrive $0xFFFF  }
0x2fa: {  	_ =	shalt  }

</sc_bundles>
